<compile_context>
chip_gen: v7x
topology: tpu7x:2x2x1
jax: 0.10.2.dev20260603
libtpu: 0.0.44.dev20260713+nightly
codegen_flags: <defaults>
</compile_context>

<pallas_src>
import functools

import jax
import jax.numpy as jnp
from jax import lax
from jax.experimental import pallas as pl
from jax.experimental.pallas import tpu as pltpu
from jax.experimental.pallas import tpu_sc as plsc

NUM_ENT = 100000
NUM_REL = 116
DIM = 128
B = 16384

LANES = 16
CHUNK = 128


def _make_sc_comp(rows):
    info = plsc.get_sparse_core_info()
    nc, ns = info.num_cores, info.num_subcores
    nw = nc * ns
    b_per_w = rows // nw
    n_chunks = b_per_w // CHUNK
    mesh = plsc.VectorSubcoreMesh(core_axis_name="c", subcore_axis_name="s")

    @functools.partial(
        pl.kernel,
        mesh=mesh,
        out_type=jax.ShapeDtypeStruct((rows, DIM), jnp.float32),
        scratch_types=[
            pltpu.VMEM((b_per_w,), jnp.int32),
            pltpu.VMEM((b_per_w,), jnp.int32),
            pltpu.VMEM((2, CHUNK, DIM), jnp.float32),
            pltpu.VMEM((2, CHUNK, DIM), jnp.float32),
            pltpu.SemaphoreType.DMA,
            pltpu.SemaphoreType.DMA,
            pltpu.SemaphoreType.DMA,
            pltpu.SemaphoreType.DMA,
        ],
    )
    def sc_comp(src_hbm, dst_hbm, ent_hbm, out_hbm,
                si_v, di_v, h_v, t_v, g0, g1, o0, o1):
        wid = lax.axis_index("s") * nc + lax.axis_index("c")
        base = wid * b_per_w
        gsem = (g0, g1)
        osem = (o0, o1)

        pltpu.sync_copy(src_hbm.at[pl.ds(base, b_per_w)], si_v)
        pltpu.sync_copy(dst_hbm.at[pl.ds(base, b_per_w)], di_v)

        def start_gather(j, s):
            sem = gsem[s]
            return (
                pltpu.async_copy(
                    ent_hbm.at[si_v.at[pl.ds(j * CHUNK, CHUNK)]], h_v.at[s], sem),
                pltpu.async_copy(
                    ent_hbm.at[di_v.at[pl.ds(j * CHUNK, CHUNK)]], t_v.at[s], sem),
            )

        gathers = [None, None]
        outs = [None, None]
        gathers[0] = start_gather(0, 0)
        for j in range(n_chunks):
            s = j & 1
            if j + 1 < n_chunks:
                if outs[1 - s] is not None:
                    outs[1 - s].wait()
                    outs[1 - s] = None
                gathers[1 - s] = start_gather(j + 1, 1 - s)
            for c in gathers[s]:
                c.wait()

            def row_body(i, carry, s=s):
                for c in range(DIM // LANES):
                    sl = pl.ds(c * LANES, LANES)
                    h_v[s, i, sl] = h_v[s, i, sl] - t_v[s, i, sl]
                return carry

            lax.fori_loop(0, CHUNK, row_body, 0)
            outs[s] = pltpu.async_copy(
                h_v.at[s], out_hbm.at[pl.ds(base + j * CHUNK, CHUNK)], osem[s])
        for s in range(2):
            if outs[s] is not None:
                outs[s].wait()

    return sc_comp


_sc_comp = _make_sc_comp(B)


def _tc_body(comp_ref, rel_ref, w_ref, relt_ref, b_ref, out_ref):
    acc = jnp.dot(comp_ref[...], w_ref[...], preferred_element_type=jnp.float32)
    wr = jnp.dot(relt_ref[...], w_ref[...],
                 preferred_element_type=jnp.float32) + b_ref[...]
    rel_ids = rel_ref[0, 0, :]
    onehot = (rel_ids[:, None] == lax.broadcasted_iota(
        jnp.int32, (rel_ids.shape[0], DIM), 1)).astype(jnp.float32)
    racc = jnp.dot(onehot, wr, preferred_element_type=jnp.float32)
    out_ref[...] = jnp.tanh(acc + racc)


def kernel(src, rel, dst, ent_table, rel_table, W, b):
    comp = _sc_comp(src, dst, ent_table)
    blk = 8192
    nblk = B // blk
    rel3 = rel.reshape(nblk, 1, blk)
    relt_pad = jnp.zeros((DIM, DIM), jnp.float32).at[:NUM_REL].set(rel_table)
    out = pl.pallas_call(
        _tc_body,
        grid=(nblk,),
        in_specs=[
            pl.BlockSpec((blk, DIM), lambda i: (i, 0)),
            pl.BlockSpec((1, 1, blk), lambda i: (i, 0, 0)),
            pl.BlockSpec((DIM, DIM), lambda i: (0, 0)),
            pl.BlockSpec((DIM, DIM), lambda i: (0, 0)),
            pl.BlockSpec((1, DIM), lambda i: (0, 0)),
        ],
        out_specs=pl.BlockSpec((blk, DIM), lambda i: (i, 0)),
        out_shape=jax.ShapeDtypeStruct((B, DIM), jnp.float32),
    )(comp, rel3, W, relt_pad, b.reshape(1, DIM))
    return out

# --- scband reference (transcript-rebuilt; emitter-appended) ---
"""Pipeline reference for scband-kg-embedding-1082331759041 (READ-ONLY COPY).

The authoritative reference and input builder live on the scoring server;
editing this copy changes nothing except your own understanding.
"""

import jax, jax.numpy as jnp
import numpy as np

NUM_ENT = 100000
NUM_REL = 116
DIM = 128
B = 16384

def setup_inputs(seed: int = 0) -> dict:
    key = jax.random.key(seed)
    ks = jax.random.split(key, 7)
    src = jax.random.randint(ks[0], (B,), 0, NUM_ENT)
    rel = jax.random.randint(ks[1], (B,), 0, NUM_REL)
    dst = jax.random.randint(ks[2], (B,), 0, NUM_ENT)
    ent_table = jax.random.normal(ks[3], (NUM_ENT, DIM), dtype=jnp.float32) * 0.02
    rel_table = jax.random.normal(ks[4], (NUM_REL, DIM), dtype=jnp.float32) * 0.02
    W = jax.random.normal(ks[5], (DIM, DIM), dtype=jnp.float32) * (1.0 / np.sqrt(DIM))
    b = jnp.zeros((DIM,), dtype=jnp.float32)
    return {"src": src, "rel": rel, "dst": dst,
            "ent_table": ent_table, "rel_table": rel_table, "W": W, "b": b}

def reference(src, rel, dst, ent_table, rel_table, W, b):
    # KG embedding lookup core (CompLayer, comp_op='add'):
    #   head/tail entity gather, relation gather via rel_emb[rel_id],
    #   additive composition comp_emb = (h + r) - t, then linear + tanh act.
    h = jnp.take(ent_table, src, axis=0)          # [B, DIM] gather
    r = jnp.take(rel_table, rel, axis=0)          # [B, DIM] gather
    t = jnp.take(ent_table, dst, axis=0)          # [B, DIM] gather
    comp = (h + r) - t                            # u_add_e then e_sub_v
    out = jnp.tanh(comp @ W + b)                  # kg_linear + nn.Tanh()
    return out

if __name__ == "__main__":
    import jax
    _d = setup_inputs()
    print(jax.jit(kernel)(*tuple(_d.values())))

</pallas_src>

<mosaic_0001>
#map = affine_map<(d0, d1) -> (0)>
#map1 = affine_map<(d0, d1) -> (0, 0)>
module attributes {stable_mosaic.version = 14 : i64} {
  func.func @sc_comp(%arg0: i32, %arg1: i32, %arg2: memref<16384xi32, #tpu.memory_space<hbm>>, %arg3: memref<16384xi32, #tpu.memory_space<hbm>>, %arg4: memref<100000x128xf32, #tpu.memory_space<hbm>>, %arg5: memref<16384x128xf32, #tpu.memory_space<hbm>>, %arg6: memref<512xi32, #tpu.memory_space<vmem>>, %arg7: memref<512xi32, #tpu.memory_space<vmem>>, %arg8: memref<2x128x128xf32, #tpu.memory_space<vmem>>, %arg9: memref<2x128x128xf32, #tpu.memory_space<vmem>>, %arg10: memref<!tpu.dma_semaphore, #tpu.memory_space<semaphore_mem>>, %arg11: memref<!tpu.dma_semaphore, #tpu.memory_space<semaphore_mem>>, %arg12: memref<!tpu.dma_semaphore, #tpu.memory_space<semaphore_mem>>, %arg13: memref<!tpu.dma_semaphore, #tpu.memory_space<semaphore_mem>>) attributes {dimension_semantics = [#tpu.dimension_semantics<core_parallel>, #tpu.dimension_semantics<subcore_parallel>], iteration_bounds = array<i64: 2, 16>, scalar_prefetch = 0 : i64, scratch_operands = 8 : i64, tpu.core_type = #tpu.core_type<sc_vector_subcore>, window_params = [{transform_indices = #map}, {transform_indices = #map}, {transform_indices = #map1}, {transform_indices = #map1}]} {
    %mul3A = arith.constant 2 : i32
    %mul3A_0 = arith.muli %arg1, %mul3A : i32
    %add3A = arith.addi %mul3A_0, %arg0 : i32
    %mul3A_1 = arith.constant 512 : i32
    %mul3A_2 = arith.muli %add3A, %mul3A_1 : i32
    "tpu.region"() ({
      %run_scoped3A = tpu.sem_alloc : memref<!tpu.dma_semaphore, #tpu.memory_space<semaphore_mem>>
      %dma_start3A_296 = tpu.memref_slice %arg2[%mul3A_2] : memref<16384xi32, #tpu.memory_space<hbm>> -> memref<512xi32, #tpu.memory_space<hbm>>
      %dma_start3A_297 = tpu.memref_slice %arg2[%mul3A_2] : memref<16384xi32, #tpu.memory_space<hbm>> -> memref<512xi32, #tpu.memory_space<hbm>>
      tpu.enqueue_dma source(%dma_start3A_297 : memref<512xi32, #tpu.memory_space<hbm>>) target(%arg6 : memref<512xi32, #tpu.memory_space<vmem>>) target_semaphore(%run_scoped3A : memref<!tpu.dma_semaphore, #tpu.memory_space<semaphore_mem>>)
      %dma_wait3A_298 = tpu.memref_slice %arg2[%mul3A_2] : memref<16384xi32, #tpu.memory_space<hbm>> -> memref<512xi32, #tpu.memory_space<hbm>>
      %dma_wait3A_299 = tpu.memref_slice %arg2[%mul3A_2] : memref<16384xi32, #tpu.memory_space<hbm>> -> memref<512xi32, #tpu.memory_space<hbm>>
      tpu.wait_dma2 semaphore(%run_scoped3A : memref<!tpu.dma_semaphore, #tpu.memory_space<semaphore_mem>>) src(%dma_wait3A_299 : memref<512xi32, #tpu.memory_space<hbm>>) dst(%arg6 : memref<512xi32, #tpu.memory_space<vmem>>)
      tpu.yield
    }) : () -> ()
    "tpu.region"() ({
      %run_scoped3A = tpu.sem_alloc : memref<!tpu.dma_semaphore, #tpu.memory_space<semaphore_mem>>
      %dma_start3A_296 = tpu.memref_slice %arg3[%mul3A_2] : memref<16384xi32, #tpu.memory_space<hbm>> -> memref<512xi32, #tpu.memory_space<hbm>>
      %dma_start3A_297 = tpu.memref_slice %arg3[%mul3A_2] : memref<16384xi32, #tpu.memory_space<hbm>> -> memref<512xi32, #tpu.memory_space<hbm>>
      tpu.enqueue_dma source(%dma_start3A_297 : memref<512xi32, #tpu.memory_space<hbm>>) target(%arg7 : memref<512xi32, #tpu.memory_space<vmem>>) target_semaphore(%run_scoped3A : memref<!tpu.dma_semaphore, #tpu.memory_space<semaphore_mem>>)
      %dma_wait3A_298 = tpu.memref_slice %arg3[%mul3A_2] : memref<16384xi32, #tpu.memory_space<hbm>> -> memref<512xi32, #tpu.memory_space<hbm>>
      %dma_wait3A_299 = tpu.memref_slice %arg3[%mul3A_2] : memref<16384xi32, #tpu.memory_space<hbm>> -> memref<512xi32, #tpu.memory_space<hbm>>
      tpu.wait_dma2 semaphore(%run_scoped3A : memref<!tpu.dma_semaphore, #tpu.memory_space<semaphore_mem>>) src(%dma_wait3A_299 : memref<512xi32, #tpu.memory_space<hbm>>) dst(%arg7 : memref<512xi32, #tpu.memory_space<vmem>>)
      tpu.yield
    }) : () -> ()
    %dma_start3A = arith.constant 0 : i32
    %dma_start3A_3 = arith.constant 0 : i32
    %dma_start3A_4 = arith.constant 0 : i32
    %dma_start3A_5 = tpu.memref_slice %arg8[%dma_start3A, %dma_start3A_3, %dma_start3A_4] : memref<2x128x128xf32, #tpu.memory_space<vmem>> -> memref<1x128x128xf32, #tpu.memory_space<vmem>>
    %dma_start3A_6 = tpu.memref_squeeze %dma_start3A_5 : memref<1x128x128xf32, #tpu.memory_space<vmem>> -> memref<128x128xf32, #tpu.memory_space<vmem>>
    %dma_start3A_7 = arith.constant 0 : i32
    %dma_start3A_8 = tpu.memref_slice %arg6[%dma_start3A_7] : memref<512xi32, #tpu.memory_space<vmem>> -> memref<128xi32, #tpu.memory_space<vmem>>
    %dma_start3A_9 = arith.constant 0 : i32
    %dma_start3A_10 = arith.constant 0 : i32
    %dma_start3A_11 = tpu.memref_slice %arg4[%dma_start3A_9, %dma_start3A_10] : memref<100000x128xf32, #tpu.memory_space<hbm>> -> memref<100000x128xf32, #tpu.memory_space<hbm>>
    tpu.enqueue_indirect_dma source(%dma_start3A_11 : memref<100000x128xf32, #tpu.memory_space<hbm>>) target(%dma_start3A_6 : memref<128x128xf32, #tpu.memory_space<vmem>>) offsets(%dma_start3A_8 : memref<128xi32, #tpu.memory_space<vmem>>) semaphore(%arg10 : memref<!tpu.dma_semaphore, #tpu.memory_space<semaphore_mem>>)
    %dma_start3A_12 = arith.constant 0 : i32
    %dma_start3A_13 = arith.constant 0 : i32
    %dma_start3A_14 = arith.constant 0 : i32
    %dma_start3A_15 = tpu.memref_slice %arg9[%dma_start3A_12, %dma_start3A_13, %dma_start3A_14] : memref<2x128x128xf32, #tpu.memory_space<vmem>> -> memref<1x128x128xf32, #tpu.memory_space<vmem>>
    %dma_start3A_16 = tpu.memref_squeeze %dma_start3A_15 : memref<1x128x128xf32, #tpu.memory_space<vmem>> -> memref<128x128xf32, #tpu.memory_space<vmem>>
    %dma_start3A_17 = arith.constant 0 : i32
    %dma_start3A_18 = tpu.memref_slice %arg7[%dma_start3A_17] : memref<512xi32, #tpu.memory_space<vmem>> -> memref<128xi32, #tpu.memory_space<vmem>>
    %dma_start3A_19 = arith.constant 0 : i32
    %dma_start3A_20 = arith.constant 0 : i32
    %dma_start3A_21 = tpu.memref_slice %arg4[%dma_start3A_19, %dma_start3A_20] : memref<100000x128xf32, #tpu.memory_space<hbm>> -> memref<100000x128xf32, #tpu.memory_space<hbm>>
    tpu.enqueue_indirect_dma source(%dma_start3A_21 : memref<100000x128xf32, #tpu.memory_space<hbm>>) target(%dma_start3A_16 : memref<128x128xf32, #tpu.memory_space<vmem>>) offsets(%dma_start3A_18 : memref<128xi32, #tpu.memory_space<vmem>>) semaphore(%arg10 : memref<!tpu.dma_semaphore, #tpu.memory_space<semaphore_mem>>)
    %dma_start3A_22 = arith.constant 1 : i32
    %dma_start3A_23 = arith.constant 0 : i32
    %dma_start3A_24 = arith.constant 0 : i32
    %dma_start3A_25 = tpu.memref_slice %arg8[%dma_start3A_22, %dma_start3A_23, %dma_start3A_24] : memref<2x128x128xf32, #tpu.memory_space<vmem>> -> memref<1x128x128xf32, #tpu.memory_space<vmem>>
    %dma_start3A_26 = tpu.memref_squeeze %dma_start3A_25 : memref<1x128x128xf32, #tpu.memory_space<vmem>> -> memref<128x128xf32, #tpu.memory_space<vmem>>
    %dma_start3A_27 = arith.constant 128 : i32
    %dma_start3A_28 = tpu.memref_slice %arg6[%dma_start3A_27] : memref<512xi32, #tpu.memory_space<vmem>> -> memref<128xi32, #tpu.memory_space<vmem>>
    %dma_start3A_29 = arith.constant 0 : i32
    %dma_start3A_30 = arith.constant 0 : i32
    %dma_start3A_31 = tpu.memref_slice %arg4[%dma_start3A_29, %dma_start3A_30] : memref<100000x128xf32, #tpu.memory_space<hbm>> -> memref<100000x128xf32, #tpu.memory_space<hbm>>
    tpu.enqueue_indirect_dma source(%dma_start3A_31 : memref<100000x128xf32, #tpu.memory_space<hbm>>) target(%dma_start3A_26 : memref<128x128xf32, #tpu.memory_space<vmem>>) offsets(%dma_start3A_28 : memref<128xi32, #tpu.memory_space<vmem>>) semaphore(%arg11 : memref<!tpu.dma_semaphore, #tpu.memory_space<semaphore_mem>>)
    %dma_start3A_32 = arith.constant 1 : i32
    %dma_start3A_33 = arith.constant 0 : i32
    %dma_start3A_34 = arith.constant 0 : i32
    %dma_start3A_35 = tpu.memref_slice %arg9[%dma_start3A_32, %dma_start3A_33, %dma_start3A_34] : memref<2x128x128xf32, #tpu.memory_space<vmem>> -> memref<1x128x128xf32, #tpu.memory_space<vmem>>
    %dma_start3A_36 = tpu.memref_squeeze %dma_start3A_35 : memref<1x128x128xf32, #tpu.memory_space<vmem>> -> memref<128x128xf32, #tpu.memory_space<vmem>>
    %dma_start3A_37 = arith.constant 128 : i32
    %dma_start3A_38 = tpu.memref_slice %arg7[%dma_start3A_37] : memref<512xi32, #tpu.memory_space<vmem>> -> memref<128xi32, #tpu.memory_space<vmem>>
    %dma_start3A_39 = arith.constant 0 : i32
    %dma_start3A_40 = arith.constant 0 : i32
    %dma_start3A_41 = tpu.memref_slice %arg4[%dma_start3A_39, %dma_start3A_40] : memref<100000x128xf32, #tpu.memory_space<hbm>> -> memref<100000x128xf32, #tpu.memory_space<hbm>>
    tpu.enqueue_indirect_dma source(%dma_start3A_41 : memref<100000x128xf32, #tpu.memory_space<hbm>>) target(%dma_start3A_36 : memref<128x128xf32, #tpu.memory_space<vmem>>) offsets(%dma_start3A_38 : memref<128xi32, #tpu.memory_space<vmem>>) semaphore(%arg11 : memref<!tpu.dma_semaphore, #tpu.memory_space<semaphore_mem>>)
    %dma_wait3A = arith.constant 0 : i32
    %dma_wait3A_42 = arith.constant 0 : i32
    %dma_wait3A_43 = arith.constant 0 : i32
    %dma_wait3A_44 = tpu.memref_slice %arg8[%dma_wait3A, %dma_wait3A_42, %dma_wait3A_43] : memref<2x128x128xf32, #tpu.memory_space<vmem>> -> memref<1x128x128xf32, #tpu.memory_space<vmem>>
    %dma_wait3A_45 = tpu.memref_squeeze %dma_wait3A_44 : memref<1x128x128xf32, #tpu.memory_space<vmem>> -> memref<128x128xf32, #tpu.memory_space<vmem>>
    %dma_wait3A_46 = arith.constant 0 : i32
    %dma_wait3A_47 = tpu.memref_slice %arg6[%dma_wait3A_46] : memref<512xi32, #tpu.memory_space<vmem>> -> memref<128xi32, #tpu.memory_space<vmem>>
    %dma_wait3A_48 = arith.constant 0 : i32
    %dma_wait3A_49 = arith.constant 0 : i32
    %dma_wait3A_50 = tpu.memref_slice %arg4[%dma_wait3A_48, %dma_wait3A_49] : memref<100000x128xf32, #tpu.memory_space<hbm>> -> memref<100000x128xf32, #tpu.memory_space<hbm>>
    tpu.wait_indirect_dma semaphore(%arg10 : memref<!tpu.dma_semaphore, #tpu.memory_space<semaphore_mem>>) src(%dma_wait3A_50 : memref<100000x128xf32, #tpu.memory_space<hbm>>) dst(%dma_wait3A_45 : memref<128x128xf32, #tpu.memory_space<vmem>>)
    %dma_wait3A_51 = arith.constant 0 : i32
    %dma_wait3A_52 = arith.constant 0 : i32
    %dma_wait3A_53 = arith.constant 0 : i32
    %dma_wait3A_54 = tpu.memref_slice %arg9[%dma_wait3A_51, %dma_wait3A_52, %dma_wait3A_53] : memref<2x128x128xf32, #tpu.memory_space<vmem>> -> memref<1x128x128xf32, #tpu.memory_space<vmem>>
    %dma_wait3A_55 = tpu.memref_squeeze %dma_wait3A_54 : memref<1x128x128xf32, #tpu.memory_space<vmem>> -> memref<128x128xf32, #tpu.memory_space<vmem>>
    %dma_wait3A_56 = arith.constant 0 : i32
    %dma_wait3A_57 = tpu.memref_slice %arg7[%dma_wait3A_56] : memref<512xi32, #tpu.memory_space<vmem>> -> memref<128xi32, #tpu.memory_space<vmem>>
    %dma_wait3A_58 = arith.constant 0 : i32
    %dma_wait3A_59 = arith.constant 0 : i32
    %dma_wait3A_60 = tpu.memref_slice %arg4[%dma_wait3A_58, %dma_wait3A_59] : memref<100000x128xf32, #tpu.memory_space<hbm>> -> memref<100000x128xf32, #tpu.memory_space<hbm>>
    tpu.wait_indirect_dma semaphore(%arg10 : memref<!tpu.dma_semaphore, #tpu.memory_space<semaphore_mem>>) src(%dma_wait3A_60 : memref<100000x128xf32, #tpu.memory_space<hbm>>) dst(%dma_wait3A_55 : memref<128x128xf32, #tpu.memory_space<vmem>>)
    %scan3A = arith.constant 0 : i32
    %scan3A_61 = arith.constant 0 : i32
    %scan3A_62 = arith.constant 128 : i32
    %scan3A_63 = arith.addi %scan3A_61, %scan3A_62 : i32
    %scan3A_64 = arith.constant 1 : i32
    scf.for %scan3A_296 = %scan3A_61 to %scan3A_63 step %scan3A_64  : i32 {
      %get3A = arith.constant 0 : i32
      %get3A_297 = arith.index_cast %get3A : i32 to index
      %get3A_298 = arith.index_cast %scan3A_296 : i32 to index
      %get3A_299 = arith.constant 0 : index
      %get3A_300 = tpu.vector_load %arg8[%get3A_297, %get3A_298, %get3A_299] {strides = array<i32>} : memref<2x128x128xf32, #tpu.memory_space<vmem>>, vector<1x1x16xf32>,
      %get3A_301 = vector.shape_cast %get3A_300 : vector<1x1x16xf32> to vector<16xf32>
      %get3A_302 = arith.constant 0 : i32
      %get3A_303 = arith.index_cast %get3A_302 : i32 to index
      %get3A_304 = arith.index_cast %scan3A_296 : i32 to index
      %get3A_305 = arith.constant 0 : index
      %get3A_306 = tpu.vector_load %arg9[%get3A_303, %get3A_304, %get3A_305] {strides = array<i32>} : memref<2x128x128xf32, #tpu.memory_space<vmem>>, vector<1x1x16xf32>,
      %get3A_307 = vector.shape_cast %get3A_306 : vector<1x1x16xf32> to vector<16xf32>
      %sub3A = arith.subf %get3A_301, %get3A_307 : vector<16xf32>
      %swap3A = arith.constant 0 : i32
      %swap3A_308 = arith.index_cast %swap3A : i32 to index
      %swap3A_309 = arith.index_cast %scan3A_296 : i32 to index
      %swap3A_310 = arith.constant 0 : index
      %swap3A_311 = tpu.vector_load %arg8[%swap3A_308, %swap3A_309, %swap3A_310] {strides = array<i32>} : memref<2x128x128xf32, #tpu.memory_space<vmem>>, vector<1x1x16xf32>,
      %swap3A_312 = vector.shape_cast %swap3A_311 : vector<1x1x16xf32> to vector<16xf32>
      %swap3A_313 = vector.shape_cast %sub3A : vector<16xf32> to vector<1x1x16xf32>
      tpu.vector_store %arg8[%swap3A_308, %swap3A_309, %swap3A_310], %swap3A_313 {strides = array<i32>} : memref<2x128x128xf32, #tpu.memory_space<vmem>>, vector<1x1x16xf32>,
      %get3A_314 = arith.constant 0 : i32
      %get3A_315 = arith.index_cast %get3A_314 : i32 to index
      %get3A_316 = arith.index_cast %scan3A_296 : i32 to index
      %get3A_317 = arith.constant 16 : index
      %get3A_318 = tpu.vector_load %arg8[%get3A_315, %get3A_316, %get3A_317] {strides = array<i32>} : memref<2x128x128xf32, #tpu.memory_space<vmem>>, vector<1x1x16xf32>,
      %get3A_319 = vector.shape_cast %get3A_318 : vector<1x1x16xf32> to vector<16xf32>
      %get3A_320 = arith.constant 0 : i32
      %get3A_321 = arith.index_cast %get3A_320 : i32 to index
      %get3A_322 = arith.index_cast %scan3A_296 : i32 to index
      %get3A_323 = arith.constant 16 : index
      %get3A_324 = tpu.vector_load %arg9[%get3A_321, %get3A_322, %get3A_323] {strides = array<i32>} : memref<2x128x128xf32, #tpu.memory_space<vmem>>, vector<1x1x16xf32>,
      %get3A_325 = vector.shape_cast %get3A_324 : vector<1x1x16xf32> to vector<16xf32>
      %sub3A_326 = arith.subf %get3A_319, %get3A_325 : vector<16xf32>
      %swap3A_327 = arith.constant 0 : i32
      %swap3A_328 = arith.index_cast %swap3A_327 : i32 to index
      %swap3A_329 = arith.index_cast %scan3A_296 : i32 to index
      %swap3A_330 = arith.constant 16 : index
      %swap3A_331 = tpu.vector_load %arg8[%swap3A_328, %swap3A_329, %swap3A_330] {strides = array<i32>} : memref<2x128x128xf32, #tpu.memory_space<vmem>>, vector<1x1x16xf32>,
      %swap3A_332 = vector.shape_cast %swap3A_331 : vector<1x1x16xf32> to vector<16xf32>
      %swap3A_333 = vector.shape_cast %sub3A_326 : vector<16xf32> to vector<1x1x16xf32>
      tpu.vector_store %arg8[%swap3A_328, %swap3A_329, %swap3A_330], %swap3A_333 {strides = array<i32>} : memref<2x128x128xf32, #tpu.memory_space<vmem>>, vector<1x1x16xf32>,
      %get3A_334 = arith.constant 0 : i32
      %get3A_335 = arith.index_cast %get3A_334 : i32 to index
      %get3A_336 = arith.index_cast %scan3A_296 : i32 to index
      %get3A_337 = arith.constant 32 : index
      %get3A_338 = tpu.vector_load %arg8[%get3A_335, %get3A_336, %get3A_337] {strides = array<i32>} : memref<2x128x128xf32, #tpu.memory_space<vmem>>, vector<1x1x16xf32>,
      %get3A_339 = vector.shape_cast %get3A_338 : vector<1x1x16xf32> to vector<16xf32>
      %get3A_340 = arith.constant 0 : i32
      %get3A_341 = arith.index_cast %get3A_340 : i32 to index
      %get3A_342 = arith.index_cast %scan3A_296 : i32 to index
      %get3A_343 = arith.constant 32 : index
      %get3A_344 = tpu.vector_load %arg9[%get3A_341, %get3A_342, %get3A_343] {strides = array<i32>} : memref<2x128x128xf32, #tpu.memory_space<vmem>>, vector<1x1x16xf32>,
      %get3A_345 = vector.shape_cast %get3A_344 : vector<1x1x16xf32> to vector<16xf32>
      %sub3A_346 = arith.subf %get3A_339, %get3A_345 : vector<16xf32>
      %swap3A_347 = arith.constant 0 : i32
      %swap3A_348 = arith.index_cast %swap3A_347 : i32 to index
      %swap3A_349 = arith.index_cast %scan3A_296 : i32 to index
      %swap3A_350 = arith.constant 32 : index
      %swap3A_351 = tpu.vector_load %arg8[%swap3A_348, %swap3A_349, %swap3A_350] {strides = array<i32>} : memref<2x128x128xf32, #tpu.memory_space<vmem>>, vector<1x1x16xf32>,
      %swap3A_352 = vector.shape_cast %swap3A_351 : vector<1x1x16xf32> to vector<16xf32>
      %swap3A_353 = vector.shape_cast %sub3A_346 : vector<16xf32> to vector<1x1x16xf32>
      tpu.vector_store %arg8[%swap3A_348, %swap3A_349, %swap3A_350], %swap3A_353 {strides = array<i32>} : memref<2x128x128xf32, #tpu.memory_space<vmem>>, vector<1x1x16xf32>,
      %get3A_354 = arith.constant 0 : i32
      %get3A_355 = arith.index_cast %get3A_354 : i32 to index
      %get3A_356 = arith.index_cast %scan3A_296 : i32 to index
      %get3A_357 = arith.constant 48 : index
      %get3A_358 = tpu.vector_load %arg8[%get3A_355, %get3A_356, %get3A_357] {strides = array<i32>} : memref<2x128x128xf32, #tpu.memory_space<vmem>>, vector<1x1x16xf32>,
      %get3A_359 = vector.shape_cast %get3A_358 : vector<1x1x16xf32> to vector<16xf32>
      %get3A_360 = arith.constant 0 : i32
      %get3A_361 = arith.index_cast %get3A_360 : i32 to index
      %get3A_362 = arith.index_cast %scan3A_296 : i32 to index
      %get3A_363 = arith.constant 48 : index
      %get3A_364 = tpu.vector_load %arg9[%get3A_361, %get3A_362, %get3A_363] {strides = array<i32>} : memref<2x128x128xf32, #tpu.memory_space<vmem>>, vector<1x1x16xf32>,
      %get3A_365 = vector.shape_cast %get3A_364 : vector<1x1x16xf32> to vector<16xf32>
      %sub3A_366 = arith.subf %get3A_359, %get3A_365 : vector<16xf32>
      %swap3A_367 = arith.constant 0 : i32
      %swap3A_368 = arith.index_cast %swap3A_367 : i32 to index
      %swap3A_369 = arith.index_cast %scan3A_296 : i32 to index
      %swap3A_370 = arith.constant 48 : index
      %swap3A_371 = tpu.vector_load %arg8[%swap3A_368, %swap3A_369, %swap3A_370] {strides = array<i32>} : memref<2x128x128xf32, #tpu.memory_space<vmem>>, vector<1x1x16xf32>,
      %swap3A_372 = vector.shape_cast %swap3A_371 : vector<1x1x16xf32> to vector<16xf32>
      %swap3A_373 = vector.shape_cast %sub3A_366 : vector<16xf32> to vector<1x1x16xf32>
      tpu.vector_store %arg8[%swap3A_368, %swap3A_369, %swap3A_370], %swap3A_373 {strides = array<i32>} : memref<2x128x128xf32, #tpu.memory_space<vmem>>, vector<1x1x16xf32>,
      %get3A_374 = arith.constant 0 : i32
      %get3A_375 = arith.index_cast %get3A_374 : i32 to index
      %get3A_376 = arith.index_cast %scan3A_296 : i32 to index
      %get3A_377 = arith.constant 64 : index
      %get3A_378 = tpu.vector_load %arg8[%get3A_375, %get3A_376, %get3A_377] {strides = array<i32>} : memref<2x128x128xf32, #tpu.memory_space<vmem>>, vector<1x1x16xf32>,
      %get3A_379 = vector.shape_cast %get3A_378 : vector<1x1x16xf32> to vector<16xf32>
      %get3A_380 = arith.constant 0 : i32
      %get3A_381 = arith.index_cast %get3A_380 : i32 to index
      %get3A_382 = arith.index_cast %scan3A_296 : i32 to index
      %get3A_383 = arith.constant 64 : index
      %get3A_384 = tpu.vector_load %arg9[%get3A_381, %get3A_382, %get3A_383] {strides = array<i32>} : memref<2x128x128xf32, #tpu.memory_space<vmem>>, vector<1x1x16xf32>,
      %get3A_385 = vector.shape_cast %get3A_384 : vector<1x1x16xf32> to vector<16xf32>
      %sub3A_386 = arith.subf %get3A_379, %get3A_385 : vector<16xf32>
      %swap3A_387 = arith.constant 0 : i32
      %swap3A_388 = arith.index_cast %swap3A_387 : i32 to index
      %swap3A_389 = arith.index_cast %scan3A_296 : i32 to index
      %swap3A_390 = arith.constant 64 : index
      %swap3A_391 = tpu.vector_load %arg8[%swap3A_388, %swap3A_389, %swap3A_390] {strides = array<i32>} : memref<2x128x128xf32, #tpu.memory_space<vmem>>, vector<1x1x16xf32>,
      %swap3A_392 = vector.shape_cast %swap3A_391 : vector<1x1x16xf32> to vector<16xf32>
      %swap3A_393 = vector.shape_cast %sub3A_386 : vector<16xf32> to vector<1x1x16xf32>
      tpu.vector_store %arg8[%swap3A_388, %swap3A_389, %swap3A_390], %swap3A_393 {strides = array<i32>} : memref<2x128x128xf32, #tpu.memory_space<vmem>>, vector<1x1x16xf32>,
      %get3A_394 = arith.constant 0 : i32
      %get3A_395 = arith.index_cast %get3A_394 : i32 to index
      %get3A_396 = arith.index_cast %scan3A_296 : i32 to index
      %get3A_397 = arith.constant 80 : index
      %get3A_398 = tpu.vector_load %arg8[%get3A_395, %get3A_396, %get3A_397] {strides = array<i32>} : memref<2x128x128xf32, #tpu.memory_space<vmem>>, vector<1x1x16xf32>,
      %get3A_399 = vector.shape_cast %get3A_398 : vector<1x1x16xf32> to vector<16xf32>
      %get3A_400 = arith.constant 0 : i32
      %get3A_401 = arith.index_cast %get3A_400 : i32 to index
      %get3A_402 = arith.index_cast %scan3A_296 : i32 to index
      %get3A_403 = arith.constant 80 : index
      %get3A_404 = tpu.vector_load %arg9[%get3A_401, %get3A_402, %get3A_403] {strides = array<i32>} : memref<2x128x128xf32, #tpu.memory_space<vmem>>, vector<1x1x16xf32>,
      %get3A_405 = vector.shape_cast %get3A_404 : vector<1x1x16xf32> to vector<16xf32>
      %sub3A_406 = arith.subf %get3A_399, %get3A_405 : vector<16xf32>
      %swap3A_407 = arith.constant 0 : i32
      %swap3A_408 = arith.index_cast %swap3A_407 : i32 to index
      %swap3A_409 = arith.index_cast %scan3A_296 : i32 to index
      %swap3A_410 = arith.constant 80 : index
      %swap3A_411 = tpu.vector_load %arg8[%swap3A_408, %swap3A_409, %swap3A_410] {strides = array<i32>} : memref<2x128x128xf32, #tpu.memory_space<vmem>>, vector<1x1x16xf32>,
      %swap3A_412 = vector.shape_cast %swap3A_411 : vector<1x1x16xf32> to vector<16xf32>
      %swap3A_413 = vector.shape_cast %sub3A_406 : vector<16xf32> to vector<1x1x16xf32>
      tpu.vector_store %arg8[%swap3A_408, %swap3A_409, %swap3A_410], %swap3A_413 {strides = array<i32>} : memref<2x128x128xf32, #tpu.memory_space<vmem>>, vector<1x1x16xf32>,
      %get3A_414 = arith.constant 0 : i32
      %get3A_415 = arith.index_cast %get3A_414 : i32 to index
      %get3A_416 = arith.index_cast %scan3A_296 : i32 to index
      %get3A_417 = arith.constant 96 : index
      %get3A_418 = tpu.vector_load %arg8[%get3A_415, %get3A_416, %get3A_417] {strides = array<i32>} : memref<2x128x128xf32, #tpu.memory_space<vmem>>, vector<1x1x16xf32>,
      %get3A_419 = vector.shape_cast %get3A_418 : vector<1x1x16xf32> to vector<16xf32>
      %get3A_420 = arith.constant 0 : i32
      %get3A_421 = arith.index_cast %get3A_420 : i32 to index
      %get3A_422 = arith.index_cast %scan3A_296 : i32 to index
      %get3A_423 = arith.constant 96 : index
      %get3A_424 = tpu.vector_load %arg9[%get3A_421, %get3A_422, %get3A_423] {strides = array<i32>} : memref<2x128x128xf32, #tpu.memory_space<vmem>>, vector<1x1x16xf32>,
      %get3A_425 = vector.shape_cast %get3A_424 : vector<1x1x16xf32> to vector<16xf32>
      %sub3A_426 = arith.subf %get3A_419, %get3A_425 : vector<16xf32>
      %swap3A_427 = arith.constant 0 : i32
      %swap3A_428 = arith.index_cast %swap3A_427 : i32 to index
      %swap3A_429 = arith.index_cast %scan3A_296 : i32 to index
      %swap3A_430 = arith.constant 96 : index
      %swap3A_431 = tpu.vector_load %arg8[%swap3A_428, %swap3A_429, %swap3A_430] {strides = array<i32>} : memref<2x128x128xf32, #tpu.memory_space<vmem>>, vector<1x1x16xf32>,
      %swap3A_432 = vector.shape_cast %swap3A_431 : vector<1x1x16xf32> to vector<16xf32>
      %swap3A_433 = vector.shape_cast %sub3A_426 : vector<16xf32> to vector<1x1x16xf32>
      tpu.vector_store %arg8[%swap3A_428, %swap3A_429, %swap3A_430], %swap3A_433 {strides = array<i32>} : memref<2x128x128xf32, #tpu.memory_space<vmem>>, vector<1x1x16xf32>,
      %get3A_434 = arith.constant 0 : i32
      %get3A_435 = arith.index_cast %get3A_434 : i32 to index
      %get3A_436 = arith.index_cast %scan3A_296 : i32 to index
      %get3A_437 = arith.constant 112 : index
      %get3A_438 = tpu.vector_load %arg8[%get3A_435, %get3A_436, %get3A_437] {strides = array<i32>} : memref<2x128x128xf32, #tpu.memory_space<vmem>>, vector<1x1x16xf32>,
      %get3A_439 = vector.shape_cast %get3A_438 : vector<1x1x16xf32> to vector<16xf32>
      %get3A_440 = arith.constant 0 : i32
      %get3A_441 = arith.index_cast %get3A_440 : i32 to index
      %get3A_442 = arith.index_cast %scan3A_296 : i32 to index
      %get3A_443 = arith.constant 112 : index
      %get3A_444 = tpu.vector_load %arg9[%get3A_441, %get3A_442, %get3A_443] {strides = array<i32>} : memref<2x128x128xf32, #tpu.memory_space<vmem>>, vector<1x1x16xf32>,
      %get3A_445 = vector.shape_cast %get3A_444 : vector<1x1x16xf32> to vector<16xf32>
      %sub3A_446 = arith.subf %get3A_439, %get3A_445 : vector<16xf32>
      %swap3A_447 = arith.constant 0 : i32
      %swap3A_448 = arith.index_cast %swap3A_447 : i32 to index
      %swap3A_449 = arith.index_cast %scan3A_296 : i32 to index
      %swap3A_450 = arith.constant 112 : index
      %swap3A_451 = tpu.vector_load %arg8[%swap3A_448, %swap3A_449, %swap3A_450] {strides = array<i32>} : memref<2x128x128xf32, #tpu.memory_space<vmem>>, vector<1x1x16xf32>,
      %swap3A_452 = vector.shape_cast %swap3A_451 : vector<1x1x16xf32> to vector<16xf32>
      %swap3A_453 = vector.shape_cast %sub3A_446 : vector<16xf32> to vector<1x1x16xf32>
      tpu.vector_store %arg8[%swap3A_448, %swap3A_449, %swap3A_450], %swap3A_453 {strides = array<i32>} : memref<2x128x128xf32, #tpu.memory_space<vmem>>, vector<1x1x16xf32>,
    }
    %scan3A_65 = arith.constant 128 : i32
    %add3A_66 = arith.constant 0 : i32
    %add3A_67 = arith.addi %mul3A_2, %add3A_66 : i32
    %dma_start3A_68 = arith.constant 0 : i32
    %dma_start3A_69 = arith.constant 0 : i32
    %dma_start3A_70 = arith.constant 0 : i32
    %dma_start3A_71 = tpu.memref_slice %arg8[%dma_start3A_68, %dma_start3A_69, %dma_start3A_70] : memref<2x128x128xf32, #tpu.memory_space<vmem>> -> memref<1x128x128xf32, #tpu.memory_space<vmem>>
    %dma_start3A_72 = tpu.memref_squeeze %dma_start3A_71 : memref<1x128x128xf32, #tpu.memory_space<vmem>> -> memref<128x128xf32, #tpu.memory_space<vmem>>
    %dma_start3A_73 = arith.constant 0 : i32
    %dma_start3A_74 = tpu.memref_slice %arg5[%add3A_67, %dma_start3A_73] : memref<16384x128xf32, #tpu.memory_space<hbm>> -> memref<128x128xf32, #tpu.memory_space<hbm>>
    %dma_start3A_75 = arith.constant 0 : i32
    %dma_start3A_76 = tpu.memref_slice %arg5[%add3A_67, %dma_start3A_75] : memref<16384x128xf32, #tpu.memory_space<hbm>> -> memref<128x128xf32, #tpu.memory_space<hbm>>
    %dma_start3A_77 = arith.constant 0 : i32
    %dma_start3A_78 = arith.constant 0 : i32
    %dma_start3A_79 = tpu.memref_slice %arg8[%dma_start3A_68, %dma_start3A_77, %dma_start3A_78] : memref<2x128x128xf32, #tpu.memory_space<vmem>> -> memref<1x128x128xf32, #tpu.memory_space<vmem>>
    %dma_start3A_80 = tpu.memref_squeeze %dma_start3A_79 : memref<1x128x128xf32, #tpu.memory_space<vmem>> -> memref<128x128xf32, #tpu.memory_space<vmem>>
    tpu.enqueue_dma source(%dma_start3A_80 : memref<128x128xf32, #tpu.memory_space<vmem>>) target(%dma_start3A_76 : memref<128x128xf32, #tpu.memory_space<hbm>>) target_semaphore(%arg12 : memref<!tpu.dma_semaphore, #tpu.memory_space<semaphore_mem>>)
    %dma_wait3A_81 = arith.constant 0 : i32
    %dma_wait3A_82 = arith.constant 0 : i32
    %dma_wait3A_83 = arith.constant 0 : i32
    %dma_wait3A_84 = tpu.memref_slice %arg8[%dma_wait3A_81, %dma_wait3A_82, %dma_wait3A_83] : memref<2x128x128xf32, #tpu.memory_space<vmem>> -> memref<1x128x128xf32, #tpu.memory_space<vmem>>
    %dma_wait3A_85 = tpu.memref_squeeze %dma_wait3A_84 : memref<1x128x128xf32, #tpu.memory_space<vmem>> -> memref<128x128xf32, #tpu.memory_space<vmem>>
    %dma_wait3A_86 = arith.constant 0 : i32
    %dma_wait3A_87 = tpu.memref_slice %arg5[%add3A_67, %dma_wait3A_86] : memref<16384x128xf32, #tpu.memory_space<hbm>> -> memref<128x128xf32, #tpu.memory_space<hbm>>
    %dma_wait3A_88 = arith.constant 0 : i32
    %dma_wait3A_89 = tpu.memref_slice %arg5[%add3A_67, %dma_wait3A_88] : memref<16384x128xf32, #tpu.memory_space<hbm>> -> memref<128x128xf32, #tpu.memory_space<hbm>>
    %dma_wait3A_90 = arith.constant 0 : i32
    %dma_wait3A_91 = arith.constant 0 : i32
    %dma_wait3A_92 = tpu.memref_slice %arg8[%dma_wait3A_81, %dma_wait3A_90, %dma_wait3A_91] : memref<2x128x128xf32, #tpu.memory_space<vmem>> -> memref<1x128x128xf32, #tpu.memory_space<vmem>>
    %dma_wait3A_93 = tpu.memref_squeeze %dma_wait3A_92 : memref<1x128x128xf32, #tpu.memory_space<vmem>> -> memref<128x128xf32, #tpu.memory_space<vmem>>
    tpu.wait_dma2 semaphore(%arg12 : memref<!tpu.dma_semaphore, #tpu.memory_space<semaphore_mem>>) src(%dma_wait3A_93 : memref<128x128xf32, #tpu.memory_space<vmem>>) dst(%dma_wait3A_89 : memref<128x128xf32, #tpu.memory_space<hbm>>)
    %dma_start3A_94 = arith.constant 0 : i32
    %dma_start3A_95 = arith.constant 0 : i32
    %dma_start3A_96 = arith.constant 0 : i32
    %dma_start3A_97 = tpu.memref_slice %arg8[%dma_start3A_94, %dma_start3A_95, %dma_start3A_96] : memref<2x128x128xf32, #tpu.memory_space<vmem>> -> memref<1x128x128xf32, #tpu.memory_space<vmem>>
    %dma_start3A_98 = tpu.memref_squeeze %dma_start3A_97 : memref<1x128x128xf32, #tpu.memory_space<vmem>> -> memref<128x128xf32, #tpu.memory_space<vmem>>
    %dma_start3A_99 = arith.constant 256 : i32
    %dma_start3A_100 = tpu.memref_slice %arg6[%dma_start3A_99] : memref<512xi32, #tpu.memory_space<vmem>> -> memref<128xi32, #tpu.memory_space<vmem>>
    %dma_start3A_101 = arith.constant 0 : i32
    %dma_start3A_102 = arith.constant 0 : i32
    %dma_start3A_103 = tpu.memref_slice %arg4[%dma_start3A_101, %dma_start3A_102] : memref<100000x128xf32, #tpu.memory_space<hbm>> -> memref<100000x128xf32, #tpu.memory_space<hbm>>
    tpu.enqueue_indirect_dma source(%dma_start3A_103 : memref<100000x128xf32, #tpu.memory_space<hbm>>) target(%dma_start3A_98 : memref<128x128xf32, #tpu.memory_space<vmem>>) offsets(%dma_start3A_100 : memref<128xi32, #tpu.memory_space<vmem>>) semaphore(%arg10 : memref<!tpu.dma_semaphore, #tpu.memory_space<semaphore_mem>>)
    %dma_start3A_104 = arith.constant 0 : i32
    %dma_start3A_105 = arith.constant 0 : i32
    %dma_start3A_106 = arith.constant 0 : i32
    %dma_start3A_107 = tpu.memref_slice %arg9[%dma_start3A_104, %dma_start3A_105, %dma_start3A_106] : memref<2x128x128xf32, #tpu.memory_space<vmem>> -> memref<1x128x128xf32, #tpu.memory_space<vmem>>
    %dma_start3A_108 = tpu.memref_squeeze %dma_start3A_107 : memref<1x128x128xf32, #tpu.memory_space<vmem>> -> memref<128x128xf32, #tpu.memory_space<vmem>>
    %dma_start3A_109 = arith.constant 256 : i32
    %dma_start3A_110 = tpu.memref_slice %arg7[%dma_start3A_109] : memref<512xi32, #tpu.memory_space<vmem>> -> memref<128xi32, #tpu.memory_space<vmem>>
    %dma_start3A_111 = arith.constant 0 : i32
    %dma_start3A_112 = arith.constant 0 : i32
    %dma_start3A_113 = tpu.memref_slice %arg4[%dma_start3A_111, %dma_start3A_112] : memref<100000x128xf32, #tpu.memory_space<hbm>> -> memref<100000x128xf32, #tpu.memory_space<hbm>>
    tpu.enqueue_indirect_dma source(%dma_start3A_113 : memref<100000x128xf32, #tpu.memory_space<hbm>>) target(%dma_start3A_108 : memref<128x128xf32, #tpu.memory_space<vmem>>) offsets(%dma_start3A_110 : memref<128xi32, #tpu.memory_space<vmem>>) semaphore(%arg10 : memref<!tpu.dma_semaphore, #tpu.memory_space<semaphore_mem>>)
    %dma_wait3A_114 = arith.constant 1 : i32
    %dma_wait3A_115 = arith.constant 0 : i32
    %dma_wait3A_116 = arith.constant 0 : i32
    %dma_wait3A_117 = tpu.memref_slice %arg8[%dma_wait3A_114, %dma_wait3A_115, %dma_wait3A_116] : memref<2x128x128xf32, #tpu.memory_space<vmem>> -> memref<1x128x128xf32, #tpu.memory_space<vmem>>
    %dma_wait3A_118 = tpu.memref_squeeze %dma_wait3A_117 : memref<1x128x128xf32, #tpu.memory_space<vmem>> -> memref<128x128xf32, #tpu.memory_space<vmem>>
    %dma_wait3A_119 = arith.constant 128 : i32
    %dma_wait3A_120 = tpu.memref_slice %arg6[%dma_wait3A_119] : memref<512xi32, #tpu.memory_space<vmem>> -> memref<128xi32, #tpu.memory_space<vmem>>
    %dma_wait3A_121 = arith.constant 0 : i32
    %dma_wait3A_122 = arith.constant 0 : i32
    %dma_wait3A_123 = tpu.memref_slice %arg4[%dma_wait3A_121, %dma_wait3A_122] : memref<100000x128xf32, #tpu.memory_space<hbm>> -> memref<100000x128xf32, #tpu.memory_space<hbm>>
    tpu.wait_indirect_dma semaphore(%arg11 : memref<!tpu.dma_semaphore, #tpu.memory_space<semaphore_mem>>) src(%dma_wait3A_123 : memref<100000x128xf32, #tpu.memory_space<hbm>>) dst(%dma_wait3A_118 : memref<128x128xf32, #tpu.memory_space<vmem>>)
    %dma_wait3A_124 = arith.constant 1 : i32
    %dma_wait3A_125 = arith.constant 0 : i32
    %dma_wait3A_126 = arith.constant 0 : i32
    %dma_wait3A_127 = tpu.memref_slice %arg9[%dma_wait3A_124, %dma_wait3A_125, %dma_wait3A_126] : memref<2x128x128xf32, #tpu.memory_space<vmem>> -> memref<1x128x128xf32, #tpu.memory_space<vmem>>
    %dma_wait3A_128 = tpu.memref_squeeze %dma_wait3A_127 : memref<1x128x128xf32, #tpu.memory_space<vmem>> -> memref<128x128xf32, #tpu.memory_space<vmem>>
    %dma_wait3A_129 = arith.constant 128 : i32
    %dma_wait3A_130 = tpu.memref_slice %arg7[%dma_wait3A_129] : memref<512xi32, #tpu.memory_space<vmem>> -> memref<128xi32, #tpu.memory_space<vmem>>
    %dma_wait3A_131 = arith.constant 0 : i32
    %dma_wait3A_132 = arith.constant 0 : i32
    %dma_wait3A_133 = tpu.memref_slice %arg4[%dma_wait3A_131, %dma_wait3A_132] : memref<100000x128xf32, #tpu.memory_space<hbm>> -> memref<100000x128xf32, #tpu.memory_space<hbm>>
    tpu.wait_indirect_dma semaphore(%arg11 : memref<!tpu.dma_semaphore, #tpu.memory_space<semaphore_mem>>) src(%dma_wait3A_133 : memref<100000x128xf32, #tpu.memory_space<hbm>>) dst(%dma_wait3A_128 : memref<128x128xf32, #tpu.memory_space<vmem>>)
    %scan3A_134 = arith.constant 0 : i32
    %scan3A_135 = arith.constant 0 : i32
    %scan3A_136 = arith.constant 128 : i32
    %scan3A_137 = arith.addi %scan3A_135, %scan3A_136 : i32
    %scan3A_138 = arith.constant 1 : i32
    scf.for %scan3A_296 = %scan3A_135 to %scan3A_137 step %scan3A_138  : i32 {
      %get3A = arith.constant 1 : i32
      %get3A_297 = arith.index_cast %get3A : i32 to index
      %get3A_298 = arith.index_cast %scan3A_296 : i32 to index
      %get3A_299 = arith.constant 0 : index
      %get3A_300 = tpu.vector_load %arg8[%get3A_297, %get3A_298, %get3A_299] {strides = array<i32>} : memref<2x128x128xf32, #tpu.memory_space<vmem>>, vector<1x1x16xf32>,
      %get3A_301 = vector.shape_cast %get3A_300 : vector<1x1x16xf32> to vector<16xf32>
      %get3A_302 = arith.constant 1 : i32
      %get3A_303 = arith.index_cast %get3A_302 : i32 to index
      %get3A_304 = arith.index_cast %scan3A_296 : i32 to index
      %get3A_305 = arith.constant 0 : index
      %get3A_306 = tpu.vector_load %arg9[%get3A_303, %get3A_304, %get3A_305] {strides = array<i32>} : memref<2x128x128xf32, #tpu.memory_space<vmem>>, vector<1x1x16xf32>,
      %get3A_307 = vector.shape_cast %get3A_306 : vector<1x1x16xf32> to vector<16xf32>
      %sub3A = arith.subf %get3A_301, %get3A_307 : vector<16xf32>
      %swap3A = arith.constant 1 : i32
      %swap3A_308 = arith.index_cast %swap3A : i32 to index
      %swap3A_309 = arith.index_cast %scan3A_296 : i32 to index
      %swap3A_310 = arith.constant 0 : index
      %swap3A_311 = tpu.vector_load %arg8[%swap3A_308, %swap3A_309, %swap3A_310] {strides = array<i32>} : memref<2x128x128xf32, #tpu.memory_space<vmem>>, vector<1x1x16xf32>,
      %swap3A_312 = vector.shape_cast %swap3A_311 : vector<1x1x16xf32> to vector<16xf32>
      %swap3A_313 = vector.shape_cast %sub3A : vector<16xf32> to vector<1x1x16xf32>
      tpu.vector_store %arg8[%swap3A_308, %swap3A_309, %swap3A_310], %swap3A_313 {strides = array<i32>} : memref<2x128x128xf32, #tpu.memory_space<vmem>>, vector<1x1x16xf32>,
      %get3A_314 = arith.constant 1 : i32
      %get3A_315 = arith.index_cast %get3A_314 : i32 to index
      %get3A_316 = arith.index_cast %scan3A_296 : i32 to index
      %get3A_317 = arith.constant 16 : index
      %get3A_318 = tpu.vector_load %arg8[%get3A_315, %get3A_316, %get3A_317] {strides = array<i32>} : memref<2x128x128xf32, #tpu.memory_space<vmem>>, vector<1x1x16xf32>,
      %get3A_319 = vector.shape_cast %get3A_318 : vector<1x1x16xf32> to vector<16xf32>
      %get3A_320 = arith.constant 1 : i32
      %get3A_321 = arith.index_cast %get3A_320 : i32 to index
      %get3A_322 = arith.index_cast %scan3A_296 : i32 to index
      %get3A_323 = arith.constant 16 : index
      %get3A_324 = tpu.vector_load %arg9[%get3A_321, %get3A_322, %get3A_323] {strides = array<i32>} : memref<2x128x128xf32, #tpu.memory_space<vmem>>, vector<1x1x16xf32>,
      %get3A_325 = vector.shape_cast %get3A_324 : vector<1x1x16xf32> to vector<16xf32>
      %sub3A_326 = arith.subf %get3A_319, %get3A_325 : vector<16xf32>
      %swap3A_327 = arith.constant 1 : i32
      %swap3A_328 = arith.index_cast %swap3A_327 : i32 to index
      %swap3A_329 = arith.index_cast %scan3A_296 : i32 to index
      %swap3A_330 = arith.constant 16 : index
      %swap3A_331 = tpu.vector_load %arg8[%swap3A_328, %swap3A_329, %swap3A_330] {strides = array<i32>} : memref<2x128x128xf32, #tpu.memory_space<vmem>>, vector<1x1x16xf32>,
      %swap3A_332 = vector.shape_cast %swap3A_331 : vector<1x1x16xf32> to vector<16xf32>
      %swap3A_333 = vector.shape_cast %sub3A_326 : vector<16xf32> to vector<1x1x16xf32>
      tpu.vector_store %arg8[%swap3A_328, %swap3A_329, %swap3A_330], %swap3A_333 {strides = array<i32>} : memref<2x128x128xf32, #tpu.memory_space<vmem>>, vector<1x1x16xf32>,
      %get3A_334 = arith.constant 1 : i32
      %get3A_335 = arith.index_cast %get3A_334 : i32 to index
      %get3A_336 = arith.index_cast %scan3A_296 : i32 to index
      %get3A_337 = arith.constant 32 : index
      %get3A_338 = tpu.vector_load %arg8[%get3A_335, %get3A_336, %get3A_337] {strides = array<i32>} : memref<2x128x128xf32, #tpu.memory_space<vmem>>, vector<1x1x16xf32>,
      %get3A_339 = vector.shape_cast %get3A_338 : vector<1x1x16xf32> to vector<16xf32>
      %get3A_340 = arith.constant 1 : i32
      %get3A_341 = arith.index_cast %get3A_340 : i32 to index
      %get3A_342 = arith.index_cast %scan3A_296 : i32 to index
      %get3A_343 = arith.constant 32 : index
      %get3A_344 = tpu.vector_load %arg9[%get3A_341, %get3A_342, %get3A_343] {strides = array<i32>} : memref<2x128x128xf32, #tpu.memory_space<vmem>>, vector<1x1x16xf32>,
      %get3A_345 = vector.shape_cast %get3A_344 : vector<1x1x16xf32> to vector<16xf32>
      %sub3A_346 = arith.subf %get3A_339, %get3A_345 : vector<16xf32>
      %swap3A_347 = arith.constant 1 : i32
      %swap3A_348 = arith.index_cast %swap3A_347 : i32 to index
      %swap3A_349 = arith.index_cast %scan3A_296 : i32 to index
      %swap3A_350 = arith.constant 32 : index
      %swap3A_351 = tpu.vector_load %arg8[%swap3A_348, %swap3A_349, %swap3A_350] {strides = array<i32>} : memref<2x128x128xf32, #tpu.memory_space<vmem>>, vector<1x1x16xf32>,
      %swap3A_352 = vector.shape_cast %swap3A_351 : vector<1x1x16xf32> to vector<16xf32>
      %swap3A_353 = vector.shape_cast %sub3A_346 : vector<16xf32> to vector<1x1x16xf32>
      tpu.vector_store %arg8[%swap3A_348, %swap3A_349, %swap3A_350], %swap3A_353 {strides = array<i32>} : memref<2x128x128xf32, #tpu.memory_space<vmem>>, vector<1x1x16xf32>,
      %get3A_354 = arith.constant 1 : i32
      %get3A_355 = arith.index_cast %get3A_354 : i32 to index
      %get3A_356 = arith.index_cast %scan3A_296 : i32 to index
      %get3A_357 = arith.constant 48 : index
      %get3A_358 = tpu.vector_load %arg8[%get3A_355, %get3A_356, %get3A_357] {strides = array<i32>} : memref<2x128x128xf32, #tpu.memory_space<vmem>>, vector<1x1x16xf32>,
      %get3A_359 = vector.shape_cast %get3A_358 : vector<1x1x16xf32> to vector<16xf32>
      %get3A_360 = arith.constant 1 : i32
      %get3A_361 = arith.index_cast %get3A_360 : i32 to index
      %get3A_362 = arith.index_cast %scan3A_296 : i32 to index
      %get3A_363 = arith.constant 48 : index
      %get3A_364 = tpu.vector_load %arg9[%get3A_361, %get3A_362, %get3A_363] {strides = array<i32>} : memref<2x128x128xf32, #tpu.memory_space<vmem>>, vector<1x1x16xf32>,
      %get3A_365 = vector.shape_cast %get3A_364 : vector<1x1x16xf32> to vector<16xf32>
      %sub3A_366 = arith.subf %get3A_359, %get3A_365 : vector<16xf32>
      %swap3A_367 = arith.constant 1 : i32
      %swap3A_368 = arith.index_cast %swap3A_367 : i32 to index
      %swap3A_369 = arith.index_cast %scan3A_296 : i32 to index
      %swap3A_370 = arith.constant 48 : index
      %swap3A_371 = tpu.vector_load %arg8[%swap3A_368, %swap3A_369, %swap3A_370] {strides = array<i32>} : memref<2x128x128xf32, #tpu.memory_space<vmem>>, vector<1x1x16xf32>,
      %swap3A_372 = vector.shape_cast %swap3A_371 : vector<1x1x16xf32> to vector<16xf32>
      %swap3A_373 = vector.shape_cast %sub3A_366 : vector<16xf32> to vector<1x1x16xf32>
      tpu.vector_store %arg8[%swap3A_368, %swap3A_369, %swap3A_370], %swap3A_373 {strides = array<i32>} : memref<2x128x128xf32, #tpu.memory_space<vmem>>, vector<1x1x16xf32>,
      %get3A_374 = arith.constant 1 : i32
      %get3A_375 = arith.index_cast %get3A_374 : i32 to index
      %get3A_376 = arith.index_cast %scan3A_296 : i32 to index
      %get3A_377 = arith.constant 64 : index
      %get3A_378 = tpu.vector_load %arg8[%get3A_375, %get3A_376, %get3A_377] {strides = array<i32>} : memref<2x128x128xf32, #tpu.memory_space<vmem>>, vector<1x1x16xf32>,
      %get3A_379 = vector.shape_cast %get3A_378 : vector<1x1x16xf32> to vector<16xf32>
      %get3A_380 = arith.constant 1 : i32
      %get3A_381 = arith.index_cast %get3A_380 : i32 to index
      %get3A_382 = arith.index_cast %scan3A_296 : i32 to index
      %get3A_383 = arith.constant 64 : index
      %get3A_384 = tpu.vector_load %arg9[%get3A_381, %get3A_382, %get3A_383] {strides = array<i32>} : memref<2x128x128xf32, #tpu.memory_space<vmem>>, vector<1x1x16xf32>,
      %get3A_385 = vector.shape_cast %get3A_384 : vector<1x1x16xf32> to vector<16xf32>
      %sub3A_386 = arith.subf %get3A_379, %get3A_385 : vector<16xf32>
      %swap3A_387 = arith.constant 1 : i32
      %swap3A_388 = arith.index_cast %swap3A_387 : i32 to index
      %swap3A_389 = arith.index_cast %scan3A_296 : i32 to index
      %swap3A_390 = arith.constant 64 : index
      %swap3A_391 = tpu.vector_load %arg8[%swap3A_388, %swap3A_389, %swap3A_390] {strides = array<i32>} : memref<2x128x128xf32, #tpu.memory_space<vmem>>, vector<1x1x16xf32>,
      %swap3A_392 = vector.shape_cast %swap3A_391 : vector<1x1x16xf32> to vector<16xf32>
      %swap3A_393 = vector.shape_cast %sub3A_386 : vector<16xf32> to vector<1x1x16xf32>
      tpu.vector_store %arg8[%swap3A_388, %swap3A_389, %swap3A_390], %swap3A_393 {strides = array<i32>} : memref<2x128x128xf32, #tpu.memory_space<vmem>>, vector<1x1x16xf32>,
      %get3A_394 = arith.constant 1 : i32
      %get3A_395 = arith.index_cast %get3A_394 : i32 to index
      %get3A_396 = arith.index_cast %scan3A_296 : i32 to index
      %get3A_397 = arith.constant 80 : index
      %get3A_398 = tpu.vector_load %arg8[%get3A_395, %get3A_396, %get3A_397] {strides = array<i32>} : memref<2x128x128xf32, #tpu.memory_space<vmem>>, vector<1x1x16xf32>,
      %get3A_399 = vector.shape_cast %get3A_398 : vector<1x1x16xf32> to vector<16xf32>
      %get3A_400 = arith.constant 1 : i32
      %get3A_401 = arith.index_cast %get3A_400 : i32 to index
      %get3A_402 = arith.index_cast %scan3A_296 : i32 to index
      %get3A_403 = arith.constant 80 : index
      %get3A_404 = tpu.vector_load %arg9[%get3A_401, %get3A_402, %get3A_403] {strides = array<i32>} : memref<2x128x128xf32, #tpu.memory_space<vmem>>, vector<1x1x16xf32>,
      %get3A_405 = vector.shape_cast %get3A_404 : vector<1x1x16xf32> to vector<16xf32>
      %sub3A_406 = arith.subf %get3A_399, %get3A_405 : vector<16xf32>
      %swap3A_407 = arith.constant 1 : i32
      %swap3A_408 = arith.index_cast %swap3A_407 : i32 to index
      %swap3A_409 = arith.index_cast %scan3A_296 : i32 to index
      %swap3A_410 = arith.constant 80 : index
      %swap3A_411 = tpu.vector_load %arg8[%swap3A_408, %swap3A_409, %swap3A_410] {strides = array<i32>} : memref<2x128x128xf32, #tpu.memory_space<vmem>>, vector<1x1x16xf32>,
      %swap3A_412 = vector.shape_cast %swap3A_411 : vector<1x1x16xf32> to vector<16xf32>
      %swap3A_413 = vector.shape_cast %sub3A_406 : vector<16xf32> to vector<1x1x16xf32>
      tpu.vector_store %arg8[%swap3A_408, %swap3A_409, %swap3A_410], %swap3A_413 {strides = array<i32>} : memref<2x128x128xf32, #tpu.memory_space<vmem>>, vector<1x1x16xf32>,
      %get3A_414 = arith.constant 1 : i32
      %get3A_415 = arith.index_cast %get3A_414 : i32 to index
      %get3A_416 = arith.index_cast %scan3A_296 : i32 to index
      %get3A_417 = arith.constant 96 : index
      %get3A_418 = tpu.vector_load %arg8[%get3A_415, %get3A_416, %get3A_417] {strides = array<i32>} : memref<2x128x128xf32, #tpu.memory_space<vmem>>, vector<1x1x16xf32>,
      %get3A_419 = vector.shape_cast %get3A_418 : vector<1x1x16xf32> to vector<16xf32>
      %get3A_420 = arith.constant 1 : i32
      %get3A_421 = arith.index_cast %get3A_420 : i32 to index
      %get3A_422 = arith.index_cast %scan3A_296 : i32 to index
      %get3A_423 = arith.constant 96 : index
      %get3A_424 = tpu.vector_load %arg9[%get3A_421, %get3A_422, %get3A_423] {strides = array<i32>} : memref<2x128x128xf32, #tpu.memory_space<vmem>>, vector<1x1x16xf32>,
      %get3A_425 = vector.shape_cast %get3A_424 : vector<1x1x16xf32> to vector<16xf32>
      %sub3A_426 = arith.subf %get3A_419, %get3A_425 : vector<16xf32>
      %swap3A_427 = arith.constant 1 : i32
      %swap3A_428 = arith.index_cast %swap3A_427 : i32 to index
      %swap3A_429 = arith.index_cast %scan3A_296 : i32 to index
      %swap3A_430 = arith.constant 96 : index
      %swap3A_431 = tpu.vector_load %arg8[%swap3A_428, %swap3A_429, %swap3A_430] {strides = array<i32>} : memref<2x128x128xf32, #tpu.memory_space<vmem>>, vector<1x1x16xf32>,
      %swap3A_432 = vector.shape_cast %swap3A_431 : vector<1x1x16xf32> to vector<16xf32>
      %swap3A_433 = vector.shape_cast %sub3A_426 : vector<16xf32> to vector<1x1x16xf32>
      tpu.vector_store %arg8[%swap3A_428, %swap3A_429, %swap3A_430], %swap3A_433 {strides = array<i32>} : memref<2x128x128xf32, #tpu.memory_space<vmem>>, vector<1x1x16xf32>,
      %get3A_434 = arith.constant 1 : i32
      %get3A_435 = arith.index_cast %get3A_434 : i32 to index
      %get3A_436 = arith.index_cast %scan3A_296 : i32 to index
      %get3A_437 = arith.constant 112 : index
      %get3A_438 = tpu.vector_load %arg8[%get3A_435, %get3A_436, %get3A_437] {strides = array<i32>} : memref<2x128x128xf32, #tpu.memory_space<vmem>>, vector<1x1x16xf32>,
      %get3A_439 = vector.shape_cast %get3A_438 : vector<1x1x16xf32> to vector<16xf32>
      %get3A_440 = arith.constant 1 : i32
      %get3A_441 = arith.index_cast %get3A_440 : i32 to index
      %get3A_442 = arith.index_cast %scan3A_296 : i32 to index
      %get3A_443 = arith.constant 112 : index
      %get3A_444 = tpu.vector_load %arg9[%get3A_441, %get3A_442, %get3A_443] {strides = array<i32>} : memref<2x128x128xf32, #tpu.memory_space<vmem>>, vector<1x1x16xf32>,
      %get3A_445 = vector.shape_cast %get3A_444 : vector<1x1x16xf32> to vector<16xf32>
      %sub3A_446 = arith.subf %get3A_439, %get3A_445 : vector<16xf32>
      %swap3A_447 = arith.constant 1 : i32
      %swap3A_448 = arith.index_cast %swap3A_447 : i32 to index
      %swap3A_449 = arith.index_cast %scan3A_296 : i32 to index
      %swap3A_450 = arith.constant 112 : index
      %swap3A_451 = tpu.vector_load %arg8[%swap3A_448, %swap3A_449, %swap3A_450] {strides = array<i32>} : memref<2x128x128xf32, #tpu.memory_space<vmem>>, vector<1x1x16xf32>,
      %swap3A_452 = vector.shape_cast %swap3A_451 : vector<1x1x16xf32> to vector<16xf32>
      %swap3A_453 = vector.shape_cast %sub3A_446 : vector<16xf32> to vector<1x1x16xf32>
      tpu.vector_store %arg8[%swap3A_448, %swap3A_449, %swap3A_450], %swap3A_453 {strides = array<i32>} : memref<2x128x128xf32, #tpu.memory_space<vmem>>, vector<1x1x16xf32>,
    }
    %scan3A_139 = arith.constant 128 : i32
    %add3A_140 = arith.constant 128 : i32
    %add3A_141 = arith.addi %mul3A_2, %add3A_140 : i32
    %dma_start3A_142 = arith.constant 1 : i32
    %dma_start3A_143 = arith.constant 0 : i32
    %dma_start3A_144 = arith.constant 0 : i32
    %dma_start3A_145 = tpu.memref_slice %arg8[%dma_start3A_142, %dma_start3A_143, %dma_start3A_144] : memref<2x128x128xf32, #tpu.memory_space<vmem>> -> memref<1x128x128xf32, #tpu.memory_space<vmem>>
    %dma_start3A_146 = tpu.memref_squeeze %dma_start3A_145 : memref<1x128x128xf32, #tpu.memory_space<vmem>> -> memref<128x128xf32, #tpu.memory_space<vmem>>
    %dma_start3A_147 = arith.constant 0 : i32
    %dma_start3A_148 = tpu.memref_slice %arg5[%add3A_141, %dma_start3A_147] : memref<16384x128xf32, #tpu.memory_space<hbm>> -> memref<128x128xf32, #tpu.memory_space<hbm>>
    %dma_start3A_149 = arith.constant 0 : i32
    %dma_start3A_150 = tpu.memref_slice %arg5[%add3A_141, %dma_start3A_149] : memref<16384x128xf32, #tpu.memory_space<hbm>> -> memref<128x128xf32, #tpu.memory_space<hbm>>
    %dma_start3A_151 = arith.constant 0 : i32
    %dma_start3A_152 = arith.constant 0 : i32
    %dma_start3A_153 = tpu.memref_slice %arg8[%dma_start3A_142, %dma_start3A_151, %dma_start3A_152] : memref<2x128x128xf32, #tpu.memory_space<vmem>> -> memref<1x128x128xf32, #tpu.memory_space<vmem>>
    %dma_start3A_154 = tpu.memref_squeeze %dma_start3A_153 : memref<1x128x128xf32, #tpu.memory_space<vmem>> -> memref<128x128xf32, #tpu.memory_space<vmem>>
    tpu.enqueue_dma source(%dma_start3A_154 : memref<128x128xf32, #tpu.memory_space<vmem>>) target(%dma_start3A_150 : memref<128x128xf32, #tpu.memory_space<hbm>>) target_semaphore(%arg13 : memref<!tpu.dma_semaphore, #tpu.memory_space<semaphore_mem>>)
    %dma_wait3A_155 = arith.constant 1 : i32
    %dma_wait3A_156 = arith.constant 0 : i32
    %dma_wait3A_157 = arith.constant 0 : i32
    %dma_wait3A_158 = tpu.memref_slice %arg8[%dma_wait3A_155, %dma_wait3A_156, %dma_wait3A_157] : memref<2x128x128xf32, #tpu.memory_space<vmem>> -> memref<1x128x128xf32, #tpu.memory_space<vmem>>
    %dma_wait3A_159 = tpu.memref_squeeze %dma_wait3A_158 : memref<1x128x128xf32, #tpu.memory_space<vmem>> -> memref<128x128xf32, #tpu.memory_space<vmem>>
    %dma_wait3A_160 = arith.constant 0 : i32
    %dma_wait3A_161 = tpu.memref_slice %arg5[%add3A_141, %dma_wait3A_160] : memref<16384x128xf32, #tpu.memory_space<hbm>> -> memref<128x128xf32, #tpu.memory_space<hbm>>
    %dma_wait3A_162 = arith.constant 0 : i32
    %dma_wait3A_163 = tpu.memref_slice %arg5[%add3A_141, %dma_wait3A_162] : memref<16384x128xf32, #tpu.memory_space<hbm>> -> memref<128x128xf32, #tpu.memory_space<hbm>>
    %dma_wait3A_164 = arith.constant 0 : i32
    %dma_wait3A_165 = arith.constant 0 : i32
    %dma_wait3A_166 = tpu.memref_slice %arg8[%dma_wait3A_155, %dma_wait3A_164, %dma_wait3A_165] : memref<2x128x128xf32, #tpu.memory_space<vmem>> -> memref<1x128x128xf32, #tpu.memory_space<vmem>>
    %dma_wait3A_167 = tpu.memref_squeeze %dma_wait3A_166 : memref<1x128x128xf32, #tpu.memory_space<vmem>> -> memref<128x128xf32, #tpu.memory_space<vmem>>
    tpu.wait_dma2 semaphore(%arg13 : memref<!tpu.dma_semaphore, #tpu.memory_space<semaphore_mem>>) src(%dma_wait3A_167 : memref<128x128xf32, #tpu.memory_space<vmem>>) dst(%dma_wait3A_163 : memref<128x128xf32, #tpu.memory_space<hbm>>)
    %dma_start3A_168 = arith.constant 1 : i32
    %dma_start3A_169 = arith.constant 0 : i32
    %dma_start3A_170 = arith.constant 0 : i32
    %dma_start3A_171 = tpu.memref_slice %arg8[%dma_start3A_168, %dma_start3A_169, %dma_start3A_170] : memref<2x128x128xf32, #tpu.memory_space<vmem>> -> memref<1x128x128xf32, #tpu.memory_space<vmem>>
    %dma_start3A_172 = tpu.memref_squeeze %dma_start3A_171 : memref<1x128x128xf32, #tpu.memory_space<vmem>> -> memref<128x128xf32, #tpu.memory_space<vmem>>
    %dma_start3A_173 = arith.constant 384 : i32
    %dma_start3A_174 = tpu.memref_slice %arg6[%dma_start3A_173] : memref<512xi32, #tpu.memory_space<vmem>> -> memref<128xi32, #tpu.memory_space<vmem>>
    %dma_start3A_175 = arith.constant 0 : i32
    %dma_start3A_176 = arith.constant 0 : i32
    %dma_start3A_177 = tpu.memref_slice %arg4[%dma_start3A_175, %dma_start3A_176] : memref<100000x128xf32, #tpu.memory_space<hbm>> -> memref<100000x128xf32, #tpu.memory_space<hbm>>
    tpu.enqueue_indirect_dma source(%dma_start3A_177 : memref<100000x128xf32, #tpu.memory_space<hbm>>) target(%dma_start3A_172 : memref<128x128xf32, #tpu.memory_space<vmem>>) offsets(%dma_start3A_174 : memref<128xi32, #tpu.memory_space<vmem>>) semaphore(%arg11 : memref<!tpu.dma_semaphore, #tpu.memory_space<semaphore_mem>>)
    %dma_start3A_178 = arith.constant 1 : i32
    %dma_start3A_179 = arith.constant 0 : i32
    %dma_start3A_180 = arith.constant 0 : i32
    %dma_start3A_181 = tpu.memref_slice %arg9[%dma_start3A_178, %dma_start3A_179, %dma_start3A_180] : memref<2x128x128xf32, #tpu.memory_space<vmem>> -> memref<1x128x128xf32, #tpu.memory_space<vmem>>
    %dma_start3A_182 = tpu.memref_squeeze %dma_start3A_181 : memref<1x128x128xf32, #tpu.memory_space<vmem>> -> memref<128x128xf32, #tpu.memory_space<vmem>>
    %dma_start3A_183 = arith.constant 384 : i32
    %dma_start3A_184 = tpu.memref_slice %arg7[%dma_start3A_183] : memref<512xi32, #tpu.memory_space<vmem>> -> memref<128xi32, #tpu.memory_space<vmem>>
    %dma_start3A_185 = arith.constant 0 : i32
    %dma_start3A_186 = arith.constant 0 : i32
    %dma_start3A_187 = tpu.memref_slice %arg4[%dma_start3A_185, %dma_start3A_186] : memref<100000x128xf32, #tpu.memory_space<hbm>> -> memref<100000x128xf32, #tpu.memory_space<hbm>>
    tpu.enqueue_indirect_dma source(%dma_start3A_187 : memref<100000x128xf32, #tpu.memory_space<hbm>>) target(%dma_start3A_182 : memref<128x128xf32, #tpu.memory_space<vmem>>) offsets(%dma_start3A_184 : memref<128xi32, #tpu.memory_space<vmem>>) semaphore(%arg11 : memref<!tpu.dma_semaphore, #tpu.memory_space<semaphore_mem>>)
    %dma_wait3A_188 = arith.constant 0 : i32
    %dma_wait3A_189 = arith.constant 0 : i32
    %dma_wait3A_190 = arith.constant 0 : i32
    %dma_wait3A_191 = tpu.memref_slice %arg8[%dma_wait3A_188, %dma_wait3A_189, %dma_wait3A_190] : memref<2x128x128xf32, #tpu.memory_space<vmem>> -> memref<1x128x128xf32, #tpu.memory_space<vmem>>
    %dma_wait3A_192 = tpu.memref_squeeze %dma_wait3A_191 : memref<1x128x128xf32, #tpu.memory_space<vmem>> -> memref<128x128xf32, #tpu.memory_space<vmem>>
    %dma_wait3A_193 = arith.constant 256 : i32
    %dma_wait3A_194 = tpu.memref_slice %arg6[%dma_wait3A_193] : memref<512xi32, #tpu.memory_space<vmem>> -> memref<128xi32, #tpu.memory_space<vmem>>
    %dma_wait3A_195 = arith.constant 0 : i32
    %dma_wait3A_196 = arith.constant 0 : i32
    %dma_wait3A_197 = tpu.memref_slice %arg4[%dma_wait3A_195, %dma_wait3A_196] : memref<100000x128xf32, #tpu.memory_space<hbm>> -> memref<100000x128xf32, #tpu.memory_space<hbm>>
    tpu.wait_indirect_dma semaphore(%arg10 : memref<!tpu.dma_semaphore, #tpu.memory_space<semaphore_mem>>) src(%dma_wait3A_197 : memref<100000x128xf32, #tpu.memory_space<hbm>>) dst(%dma_wait3A_192 : memref<128x128xf32, #tpu.memory_space<vmem>>)
    %dma_wait3A_198 = arith.constant 0 : i32
    %dma_wait3A_199 = arith.constant 0 : i32
    %dma_wait3A_200 = arith.constant 0 : i32
    %dma_wait3A_201 = tpu.memref_slice %arg9[%dma_wait3A_198, %dma_wait3A_199, %dma_wait3A_200] : memref<2x128x128xf32, #tpu.memory_space<vmem>> -> memref<1x128x128xf32, #tpu.memory_space<vmem>>
    %dma_wait3A_202 = tpu.memref_squeeze %dma_wait3A_201 : memref<1x128x128xf32, #tpu.memory_space<vmem>> -> memref<128x128xf32, #tpu.memory_space<vmem>>
    %dma_wait3A_203 = arith.constant 256 : i32
    %dma_wait3A_204 = tpu.memref_slice %arg7[%dma_wait3A_203] : memref<512xi32, #tpu.memory_space<vmem>> -> memref<128xi32, #tpu.memory_space<vmem>>
    %dma_wait3A_205 = arith.constant 0 : i32
    %dma_wait3A_206 = arith.constant 0 : i32
    %dma_wait3A_207 = tpu.memref_slice %arg4[%dma_wait3A_205, %dma_wait3A_206] : memref<100000x128xf32, #tpu.memory_space<hbm>> -> memref<100000x128xf32, #tpu.memory_space<hbm>>
    tpu.wait_indirect_dma semaphore(%arg10 : memref<!tpu.dma_semaphore, #tpu.memory_space<semaphore_mem>>) src(%dma_wait3A_207 : memref<100000x128xf32, #tpu.memory_space<hbm>>) dst(%dma_wait3A_202 : memref<128x128xf32, #tpu.memory_space<vmem>>)
    %scan3A_208 = arith.constant 0 : i32
    %scan3A_209 = arith.constant 0 : i32
    %scan3A_210 = arith.constant 128 : i32
    %scan3A_211 = arith.addi %scan3A_209, %scan3A_210 : i32
    %scan3A_212 = arith.constant 1 : i32
    scf.for %scan3A_296 = %scan3A_209 to %scan3A_211 step %scan3A_212  : i32 {
      %get3A = arith.constant 0 : i32
      %get3A_297 = arith.index_cast %get3A : i32 to index
      %get3A_298 = arith.index_cast %scan3A_296 : i32 to index
      %get3A_299 = arith.constant 0 : index
      %get3A_300 = tpu.vector_load %arg8[%get3A_297, %get3A_298, %get3A_299] {strides = array<i32>} : memref<2x128x128xf32, #tpu.memory_space<vmem>>, vector<1x1x16xf32>,
      %get3A_301 = vector.shape_cast %get3A_300 : vector<1x1x16xf32> to vector<16xf32>
      %get3A_302 = arith.constant 0 : i32
      %get3A_303 = arith.index_cast %get3A_302 : i32 to index
      %get3A_304 = arith.index_cast %scan3A_296 : i32 to index
      %get3A_305 = arith.constant 0 : index
      %get3A_306 = tpu.vector_load %arg9[%get3A_303, %get3A_304, %get3A_305] {strides = array<i32>} : memref<2x128x128xf32, #tpu.memory_space<vmem>>, vector<1x1x16xf32>,
      %get3A_307 = vector.shape_cast %get3A_306 : vector<1x1x16xf32> to vector<16xf32>
      %sub3A = arith.subf %get3A_301, %get3A_307 : vector<16xf32>
      %swap3A = arith.constant 0 : i32
      %swap3A_308 = arith.index_cast %swap3A : i32 to index
      %swap3A_309 = arith.index_cast %scan3A_296 : i32 to index
      %swap3A_310 = arith.constant 0 : index
      %swap3A_311 = tpu.vector_load %arg8[%swap3A_308, %swap3A_309, %swap3A_310] {strides = array<i32>} : memref<2x128x128xf32, #tpu.memory_space<vmem>>, vector<1x1x16xf32>,
      %swap3A_312 = vector.shape_cast %swap3A_311 : vector<1x1x16xf32> to vector<16xf32>
      %swap3A_313 = vector.shape_cast %sub3A : vector<16xf32> to vector<1x1x16xf32>
      tpu.vector_store %arg8[%swap3A_308, %swap3A_309, %swap3A_310], %swap3A_313 {strides = array<i32>} : memref<2x128x128xf32, #tpu.memory_space<vmem>>, vector<1x1x16xf32>,
      %get3A_314 = arith.constant 0 : i32
      %get3A_315 = arith.index_cast %get3A_314 : i32 to index
      %get3A_316 = arith.index_cast %scan3A_296 : i32 to index
      %get3A_317 = arith.constant 16 : index
      %get3A_318 = tpu.vector_load %arg8[%get3A_315, %get3A_316, %get3A_317] {strides = array<i32>} : memref<2x128x128xf32, #tpu.memory_space<vmem>>, vector<1x1x16xf32>,
      %get3A_319 = vector.shape_cast %get3A_318 : vector<1x1x16xf32> to vector<16xf32>
      %get3A_320 = arith.constant 0 : i32
      %get3A_321 = arith.index_cast %get3A_320 : i32 to index
      %get3A_322 = arith.index_cast %scan3A_296 : i32 to index
      %get3A_323 = arith.constant 16 : index
      %get3A_324 = tpu.vector_load %arg9[%get3A_321, %get3A_322, %get3A_323] {strides = array<i32>} : memref<2x128x128xf32, #tpu.memory_space<vmem>>, vector<1x1x16xf32>,
      %get3A_325 = vector.shape_cast %get3A_324 : vector<1x1x16xf32> to vector<16xf32>
      %sub3A_326 = arith.subf %get3A_319, %get3A_325 : vector<16xf32>
      %swap3A_327 = arith.constant 0 : i32
      %swap3A_328 = arith.index_cast %swap3A_327 : i32 to index
      %swap3A_329 = arith.index_cast %scan3A_296 : i32 to index
      %swap3A_330 = arith.constant 16 : index
      %swap3A_331 = tpu.vector_load %arg8[%swap3A_328, %swap3A_329, %swap3A_330] {strides = array<i32>} : memref<2x128x128xf32, #tpu.memory_space<vmem>>, vector<1x1x16xf32>,
      %swap3A_332 = vector.shape_cast %swap3A_331 : vector<1x1x16xf32> to vector<16xf32>
      %swap3A_333 = vector.shape_cast %sub3A_326 : vector<16xf32> to vector<1x1x16xf32>
      tpu.vector_store %arg8[%swap3A_328, %swap3A_329, %swap3A_330], %swap3A_333 {strides = array<i32>} : memref<2x128x128xf32, #tpu.memory_space<vmem>>, vector<1x1x16xf32>,
      %get3A_334 = arith.constant 0 : i32
      %get3A_335 = arith.index_cast %get3A_334 : i32 to index
      %get3A_336 = arith.index_cast %scan3A_296 : i32 to index
      %get3A_337 = arith.constant 32 : index
      %get3A_338 = tpu.vector_load %arg8[%get3A_335, %get3A_336, %get3A_337] {strides = array<i32>} : memref<2x128x128xf32, #tpu.memory_space<vmem>>, vector<1x1x16xf32>,
      %get3A_339 = vector.shape_cast %get3A_338 : vector<1x1x16xf32> to vector<16xf32>
      %get3A_340 = arith.constant 0 : i32
      %get3A_341 = arith.index_cast %get3A_340 : i32 to index
      %get3A_342 = arith.index_cast %scan3A_296 : i32 to index
      %get3A_343 = arith.constant 32 : index
      %get3A_344 = tpu.vector_load %arg9[%get3A_341, %get3A_342, %get3A_343] {strides = array<i32>} : memref<2x128x128xf32, #tpu.memory_space<vmem>>, vector<1x1x16xf32>,
      %get3A_345 = vector.shape_cast %get3A_344 : vector<1x1x16xf32> to vector<16xf32>
      %sub3A_346 = arith.subf %get3A_339, %get3A_345 : vector<16xf32>
      %swap3A_347 = arith.constant 0 : i32
      %swap3A_348 = arith.index_cast %swap3A_347 : i32 to index
      %swap3A_349 = arith.index_cast %scan3A_296 : i32 to index
      %swap3A_350 = arith.constant 32 : index
      %swap3A_351 = tpu.vector_load %arg8[%swap3A_348, %swap3A_349, %swap3A_350] {strides = array<i32>} : memref<2x128x128xf32, #tpu.memory_space<vmem>>, vector<1x1x16xf32>,
      %swap3A_352 = vector.shape_cast %swap3A_351 : vector<1x1x16xf32> to vector<16xf32>
      %swap3A_353 = vector.shape_cast %sub3A_346 : vector<16xf32> to vector<1x1x16xf32>
      tpu.vector_store %arg8[%swap3A_348, %swap3A_349, %swap3A_350], %swap3A_353 {strides = array<i32>} : memref<2x128x128xf32, #tpu.memory_space<vmem>>, vector<1x1x16xf32>,
      %get3A_354 = arith.constant 0 : i32
      %get3A_355 = arith.index_cast %get3A_354 : i32 to index
      %get3A_356 = arith.index_cast %scan3A_296 : i32 to index
      %get3A_357 = arith.constant 48 : index
      %get3A_358 = tpu.vector_load %arg8[%get3A_355, %get3A_356, %get3A_357] {strides = array<i32>} : memref<2x128x128xf32, #tpu.memory_space<vmem>>, vector<1x1x16xf32>,
      %get3A_359 = vector.shape_cast %get3A_358 : vector<1x1x16xf32> to vector<16xf32>
      %get3A_360 = arith.constant 0 : i32
      %get3A_361 = arith.index_cast %get3A_360 : i32 to index
      %get3A_362 = arith.index_cast %scan3A_296 : i32 to index
      %get3A_363 = arith.constant 48 : index
      %get3A_364 = tpu.vector_load %arg9[%get3A_361, %get3A_362, %get3A_363] {strides = array<i32>} : memref<2x128x128xf32, #tpu.memory_space<vmem>>, vector<1x1x16xf32>,
      %get3A_365 = vector.shape_cast %get3A_364 : vector<1x1x16xf32> to vector<16xf32>
      %sub3A_366 = arith.subf %get3A_359, %get3A_365 : vector<16xf32>
      %swap3A_367 = arith.constant 0 : i32
      %swap3A_368 = arith.index_cast %swap3A_367 : i32 to index
      %swap3A_369 = arith.index_cast %scan3A_296 : i32 to index
      %swap3A_370 = arith.constant 48 : index
      %swap3A_371 = tpu.vector_load %arg8[%swap3A_368, %swap3A_369, %swap3A_370] {strides = array<i32>} : memref<2x128x128xf32, #tpu.memory_space<vmem>>, vector<1x1x16xf32>,
      %swap3A_372 = vector.shape_cast %swap3A_371 : vector<1x1x16xf32> to vector<16xf32>
      %swap3A_373 = vector.shape_cast %sub3A_366 : vector<16xf32> to vector<1x1x16xf32>
      tpu.vector_store %arg8[%swap3A_368, %swap3A_369, %swap3A_370], %swap3A_373 {strides = array<i32>} : memref<2x128x128xf32, #tpu.memory_space<vmem>>, vector<1x1x16xf32>,
      %get3A_374 = arith.constant 0 : i32
      %get3A_375 = arith.index_cast %get3A_374 : i32 to index
      %get3A_376 = arith.index_cast %scan3A_296 : i32 to index
      %get3A_377 = arith.constant 64 : index
      %get3A_378 = tpu.vector_load %arg8[%get3A_375, %get3A_376, %get3A_377] {strides = array<i32>} : memref<2x128x128xf32, #tpu.memory_space<vmem>>, vector<1x1x16xf32>,
      %get3A_379 = vector.shape_cast %get3A_378 : vector<1x1x16xf32> to vector<16xf32>
      %get3A_380 = arith.constant 0 : i32
      %get3A_381 = arith.index_cast %get3A_380 : i32 to index
      %get3A_382 = arith.index_cast %scan3A_296 : i32 to index
      %get3A_383 = arith.constant 64 : index
      %get3A_384 = tpu.vector_load %arg9[%get3A_381, %get3A_382, %get3A_383] {strides = array<i32>} : memref<2x128x128xf32, #tpu.memory_space<vmem>>, vector<1x1x16xf32>,
      %get3A_385 = vector.shape_cast %get3A_384 : vector<1x1x16xf32> to vector<16xf32>
      %sub3A_386 = arith.subf %get3A_379, %get3A_385 : vector<16xf32>
      %swap3A_387 = arith.constant 0 : i32
      %swap3A_388 = arith.index_cast %swap3A_387 : i32 to index
      %swap3A_389 = arith.index_cast %scan3A_296 : i32 to index
      %swap3A_390 = arith.constant 64 : index
      %swap3A_391 = tpu.vector_load %arg8[%swap3A_388, %swap3A_389, %swap3A_390] {strides = array<i32>} : memref<2x128x128xf32, #tpu.memory_space<vmem>>, vector<1x1x16xf32>,
      %swap3A_392 = vector.shape_cast %swap3A_391 : vector<1x1x16xf32> to vector<16xf32>
      %swap3A_393 = vector.shape_cast %sub3A_386 : vector<16xf32> to vector<1x1x16xf32>
      tpu.vector_store %arg8[%swap3A_388, %swap3A_389, %swap3A_390], %swap3A_393 {strides = array<i32>} : memref<2x128x128xf32, #tpu.memory_space<vmem>>, vector<1x1x16xf32>,
      %get3A_394 = arith.constant 0 : i32
      %get3A_395 = arith.index_cast %get3A_394 : i32 to index
      %get3A_396 = arith.index_cast %scan3A_296 : i32 to index
      %get3A_397 = arith.constant 80 : index
      %get3A_398 = tpu.vector_load %arg8[%get3A_395, %get3A_396, %get3A_397] {strides = array<i32>} : memref<2x128x128xf32, #tpu.memory_space<vmem>>, vector<1x1x16xf32>,
      %get3A_399 = vector.shape_cast %get3A_398 : vector<1x1x16xf32> to vector<16xf32>
      %get3A_400 = arith.constant 0 : i32
      %get3A_401 = arith.index_cast %get3A_400 : i32 to index
      %get3A_402 = arith.index_cast %scan3A_296 : i32 to index
      %get3A_403 = arith.constant 80 : index
      %get3A_404 = tpu.vector_load %arg9[%get3A_401, %get3A_402, %get3A_403] {strides = array<i32>} : memref<2x128x128xf32, #tpu.memory_space<vmem>>, vector<1x1x16xf32>,
      %get3A_405 = vector.shape_cast %get3A_404 : vector<1x1x16xf32> to vector<16xf32>
      %sub3A_406 = arith.subf %get3A_399, %get3A_405 : vector<16xf32>
      %swap3A_407 = arith.constant 0 : i32
      %swap3A_408 = arith.index_cast %swap3A_407 : i32 to index
      %swap3A_409 = arith.index_cast %scan3A_296 : i32 to index
      %swap3A_410 = arith.constant 80 : index
      %swap3A_411 = tpu.vector_load %arg8[%swap3A_408, %swap3A_409, %swap3A_410] {strides = array<i32>} : memref<2x128x128xf32, #tpu.memory_space<vmem>>, vector<1x1x16xf32>,
      %swap3A_412 = vector.shape_cast %swap3A_411 : vector<1x1x16xf32> to vector<16xf32>
      %swap3A_413 = vector.shape_cast %sub3A_406 : vector<16xf32> to vector<1x1x16xf32>
      tpu.vector_store %arg8[%swap3A_408, %swap3A_409, %swap3A_410], %swap3A_413 {strides = array<i32>} : memref<2x128x128xf32, #tpu.memory_space<vmem>>, vector<1x1x16xf32>,
      %get3A_414 = arith.constant 0 : i32
      %get3A_415 = arith.index_cast %get3A_414 : i32 to index
      %get3A_416 = arith.index_cast %scan3A_296 : i32 to index
      %get3A_417 = arith.constant 96 : index
      %get3A_418 = tpu.vector_load %arg8[%get3A_415, %get3A_416, %get3A_417] {strides = array<i32>} : memref<2x128x128xf32, #tpu.memory_space<vmem>>, vector<1x1x16xf32>,
      %get3A_419 = vector.shape_cast %get3A_418 : vector<1x1x16xf32> to vector<16xf32>
      %get3A_420 = arith.constant 0 : i32
      %get3A_421 = arith.index_cast %get3A_420 : i32 to index
      %get3A_422 = arith.index_cast %scan3A_296 : i32 to index
      %get3A_423 = arith.constant 96 : index
      %get3A_424 = tpu.vector_load %arg9[%get3A_421, %get3A_422, %get3A_423] {strides = array<i32>} : memref<2x128x128xf32, #tpu.memory_space<vmem>>, vector<1x1x16xf32>,
      %get3A_425 = vector.shape_cast %get3A_424 : vector<1x1x16xf32> to vector<16xf32>
      %sub3A_426 = arith.subf %get3A_419, %get3A_425 : vector<16xf32>
      %swap3A_427 = arith.constant 0 : i32
      %swap3A_428 = arith.index_cast %swap3A_427 : i32 to index
      %swap3A_429 = arith.index_cast %scan3A_296 : i32 to index
      %swap3A_430 = arith.constant 96 : index
      %swap3A_431 = tpu.vector_load %arg8[%swap3A_428, %swap3A_429, %swap3A_430] {strides = array<i32>} : memref<2x128x128xf32, #tpu.memory_space<vmem>>, vector<1x1x16xf32>,
      %swap3A_432 = vector.shape_cast %swap3A_431 : vector<1x1x16xf32> to vector<16xf32>
      %swap3A_433 = vector.shape_cast %sub3A_426 : vector<16xf32> to vector<1x1x16xf32>
      tpu.vector_store %arg8[%swap3A_428, %swap3A_429, %swap3A_430], %swap3A_433 {strides = array<i32>} : memref<2x128x128xf32, #tpu.memory_space<vmem>>, vector<1x1x16xf32>,
      %get3A_434 = arith.constant 0 : i32
      %get3A_435 = arith.index_cast %get3A_434 : i32 to index
      %get3A_436 = arith.index_cast %scan3A_296 : i32 to index
      %get3A_437 = arith.constant 112 : index
      %get3A_438 = tpu.vector_load %arg8[%get3A_435, %get3A_436, %get3A_437] {strides = array<i32>} : memref<2x128x128xf32, #tpu.memory_space<vmem>>, vector<1x1x16xf32>,
      %get3A_439 = vector.shape_cast %get3A_438 : vector<1x1x16xf32> to vector<16xf32>
      %get3A_440 = arith.constant 0 : i32
      %get3A_441 = arith.index_cast %get3A_440 : i32 to index
      %get3A_442 = arith.index_cast %scan3A_296 : i32 to index
      %get3A_443 = arith.constant 112 : index
      %get3A_444 = tpu.vector_load %arg9[%get3A_441, %get3A_442, %get3A_443] {strides = array<i32>} : memref<2x128x128xf32, #tpu.memory_space<vmem>>, vector<1x1x16xf32>,
      %get3A_445 = vector.shape_cast %get3A_444 : vector<1x1x16xf32> to vector<16xf32>
      %sub3A_446 = arith.subf %get3A_439, %get3A_445 : vector<16xf32>
      %swap3A_447 = arith.constant 0 : i32
      %swap3A_448 = arith.index_cast %swap3A_447 : i32 to index
      %swap3A_449 = arith.index_cast %scan3A_296 : i32 to index
      %swap3A_450 = arith.constant 112 : index
      %swap3A_451 = tpu.vector_load %arg8[%swap3A_448, %swap3A_449, %swap3A_450] {strides = array<i32>} : memref<2x128x128xf32, #tpu.memory_space<vmem>>, vector<1x1x16xf32>,
      %swap3A_452 = vector.shape_cast %swap3A_451 : vector<1x1x16xf32> to vector<16xf32>
      %swap3A_453 = vector.shape_cast %sub3A_446 : vector<16xf32> to vector<1x1x16xf32>
      tpu.vector_store %arg8[%swap3A_448, %swap3A_449, %swap3A_450], %swap3A_453 {strides = array<i32>} : memref<2x128x128xf32, #tpu.memory_space<vmem>>, vector<1x1x16xf32>,
    }
    %scan3A_213 = arith.constant 128 : i32
    %add3A_214 = arith.constant 256 : i32
    %add3A_215 = arith.addi %mul3A_2, %add3A_214 : i32
    %dma_start3A_216 = arith.constant 0 : i32
    %dma_start3A_217 = arith.constant 0 : i32
    %dma_start3A_218 = arith.constant 0 : i32
    %dma_start3A_219 = tpu.memref_slice %arg8[%dma_start3A_216, %dma_start3A_217, %dma_start3A_218] : memref<2x128x128xf32, #tpu.memory_space<vmem>> -> memref<1x128x128xf32, #tpu.memory_space<vmem>>
    %dma_start3A_220 = tpu.memref_squeeze %dma_start3A_219 : memref<1x128x128xf32, #tpu.memory_space<vmem>> -> memref<128x128xf32, #tpu.memory_space<vmem>>
    %dma_start3A_221 = arith.constant 0 : i32
    %dma_start3A_222 = tpu.memref_slice %arg5[%add3A_215, %dma_start3A_221] : memref<16384x128xf32, #tpu.memory_space<hbm>> -> memref<128x128xf32, #tpu.memory_space<hbm>>
    %dma_start3A_223 = arith.constant 0 : i32
    %dma_start3A_224 = tpu.memref_slice %arg5[%add3A_215, %dma_start3A_223] : memref<16384x128xf32, #tpu.memory_space<hbm>> -> memref<128x128xf32, #tpu.memory_space<hbm>>
    %dma_start3A_225 = arith.constant 0 : i32
    %dma_start3A_226 = arith.constant 0 : i32
    %dma_start3A_227 = tpu.memref_slice %arg8[%dma_start3A_216, %dma_start3A_225, %dma_start3A_226] : memref<2x128x128xf32, #tpu.memory_space<vmem>> -> memref<1x128x128xf32, #tpu.memory_space<vmem>>
    %dma_start3A_228 = tpu.memref_squeeze %dma_start3A_227 : memref<1x128x128xf32, #tpu.memory_space<vmem>> -> memref<128x128xf32, #tpu.memory_space<vmem>>
    tpu.enqueue_dma source(%dma_start3A_228 : memref<128x128xf32, #tpu.memory_space<vmem>>) target(%dma_start3A_224 : memref<128x128xf32, #tpu.memory_space<hbm>>) target_semaphore(%arg12 : memref<!tpu.dma_semaphore, #tpu.memory_space<semaphore_mem>>)
    %dma_wait3A_229 = arith.constant 1 : i32
    %dma_wait3A_230 = arith.constant 0 : i32
    %dma_wait3A_231 = arith.constant 0 : i32
    %dma_wait3A_232 = tpu.memref_slice %arg8[%dma_wait3A_229, %dma_wait3A_230, %dma_wait3A_231] : memref<2x128x128xf32, #tpu.memory_space<vmem>> -> memref<1x128x128xf32, #tpu.memory_space<vmem>>
    %dma_wait3A_233 = tpu.memref_squeeze %dma_wait3A_232 : memref<1x128x128xf32, #tpu.memory_space<vmem>> -> memref<128x128xf32, #tpu.memory_space<vmem>>
    %dma_wait3A_234 = arith.constant 384 : i32
    %dma_wait3A_235 = tpu.memref_slice %arg6[%dma_wait3A_234] : memref<512xi32, #tpu.memory_space<vmem>> -> memref<128xi32, #tpu.memory_space<vmem>>
    %dma_wait3A_236 = arith.constant 0 : i32
    %dma_wait3A_237 = arith.constant 0 : i32
    %dma_wait3A_238 = tpu.memref_slice %arg4[%dma_wait3A_236, %dma_wait3A_237] : memref<100000x128xf32, #tpu.memory_space<hbm>> -> memref<100000x128xf32, #tpu.memory_space<hbm>>
    tpu.wait_indirect_dma semaphore(%arg11 : memref<!tpu.dma_semaphore, #tpu.memory_space<semaphore_mem>>) src(%dma_wait3A_238 : memref<100000x128xf32, #tpu.memory_space<hbm>>) dst(%dma_wait3A_233 : memref<128x128xf32, #tpu.memory_space<vmem>>)
    %dma_wait3A_239 = arith.constant 1 : i32
    %dma_wait3A_240 = arith.constant 0 : i32
    %dma_wait3A_241 = arith.constant 0 : i32
    %dma_wait3A_242 = tpu.memref_slice %arg9[%dma_wait3A_239, %dma_wait3A_240, %dma_wait3A_241] : memref<2x128x128xf32, #tpu.memory_space<vmem>> -> memref<1x128x128xf32, #tpu.memory_space<vmem>>
    %dma_wait3A_243 = tpu.memref_squeeze %dma_wait3A_242 : memref<1x128x128xf32, #tpu.memory_space<vmem>> -> memref<128x128xf32, #tpu.memory_space<vmem>>
    %dma_wait3A_244 = arith.constant 384 : i32
    %dma_wait3A_245 = tpu.memref_slice %arg7[%dma_wait3A_244] : memref<512xi32, #tpu.memory_space<vmem>> -> memref<128xi32, #tpu.memory_space<vmem>>
    %dma_wait3A_246 = arith.constant 0 : i32
    %dma_wait3A_247 = arith.constant 0 : i32
    %dma_wait3A_248 = tpu.memref_slice %arg4[%dma_wait3A_246, %dma_wait3A_247] : memref<100000x128xf32, #tpu.memory_space<hbm>> -> memref<100000x128xf32, #tpu.memory_space<hbm>>
    tpu.wait_indirect_dma semaphore(%arg11 : memref<!tpu.dma_semaphore, #tpu.memory_space<semaphore_mem>>) src(%dma_wait3A_248 : memref<100000x128xf32, #tpu.memory_space<hbm>>) dst(%dma_wait3A_243 : memref<128x128xf32, #tpu.memory_space<vmem>>)
    %scan3A_249 = arith.constant 0 : i32
    %scan3A_250 = arith.constant 0 : i32
    %scan3A_251 = arith.constant 128 : i32
    %scan3A_252 = arith.addi %scan3A_250, %scan3A_251 : i32
    %scan3A_253 = arith.constant 1 : i32
    scf.for %scan3A_296 = %scan3A_250 to %scan3A_252 step %scan3A_253  : i32 {
      %get3A = arith.constant 1 : i32
      %get3A_297 = arith.index_cast %get3A : i32 to index
      %get3A_298 = arith.index_cast %scan3A_296 : i32 to index
      %get3A_299 = arith.constant 0 : index
      %get3A_300 = tpu.vector_load %arg8[%get3A_297, %get3A_298, %get3A_299] {strides = array<i32>} : memref<2x128x128xf32, #tpu.memory_space<vmem>>, vector<1x1x16xf32>,
      %get3A_301 = vector.shape_cast %get3A_300 : vector<1x1x16xf32> to vector<16xf32>
      %get3A_302 = arith.constant 1 : i32
      %get3A_303 = arith.index_cast %get3A_302 : i32 to index
      %get3A_304 = arith.index_cast %scan3A_296 : i32 to index
      %get3A_305 = arith.constant 0 : index
      %get3A_306 = tpu.vector_load %arg9[%get3A_303, %get3A_304, %get3A_305] {strides = array<i32>} : memref<2x128x128xf32, #tpu.memory_space<vmem>>, vector<1x1x16xf32>,
      %get3A_307 = vector.shape_cast %get3A_306 : vector<1x1x16xf32> to vector<16xf32>
      %sub3A = arith.subf %get3A_301, %get3A_307 : vector<16xf32>
      %swap3A = arith.constant 1 : i32
      %swap3A_308 = arith.index_cast %swap3A : i32 to index
      %swap3A_309 = arith.index_cast %scan3A_296 : i32 to index
      %swap3A_310 = arith.constant 0 : index
      %swap3A_311 = tpu.vector_load %arg8[%swap3A_308, %swap3A_309, %swap3A_310] {strides = array<i32>} : memref<2x128x128xf32, #tpu.memory_space<vmem>>, vector<1x1x16xf32>,
      %swap3A_312 = vector.shape_cast %swap3A_311 : vector<1x1x16xf32> to vector<16xf32>
      %swap3A_313 = vector.shape_cast %sub3A : vector<16xf32> to vector<1x1x16xf32>
      tpu.vector_store %arg8[%swap3A_308, %swap3A_309, %swap3A_310], %swap3A_313 {strides = array<i32>} : memref<2x128x128xf32, #tpu.memory_space<vmem>>, vector<1x1x16xf32>,
      %get3A_314 = arith.constant 1 : i32
      %get3A_315 = arith.index_cast %get3A_314 : i32 to index
      %get3A_316 = arith.index_cast %scan3A_296 : i32 to index
      %get3A_317 = arith.constant 16 : index
      %get3A_318 = tpu.vector_load %arg8[%get3A_315, %get3A_316, %get3A_317] {strides = array<i32>} : memref<2x128x128xf32, #tpu.memory_space<vmem>>, vector<1x1x16xf32>,
      %get3A_319 = vector.shape_cast %get3A_318 : vector<1x1x16xf32> to vector<16xf32>
      %get3A_320 = arith.constant 1 : i32
      %get3A_321 = arith.index_cast %get3A_320 : i32 to index
      %get3A_322 = arith.index_cast %scan3A_296 : i32 to index
      %get3A_323 = arith.constant 16 : index
      %get3A_324 = tpu.vector_load %arg9[%get3A_321, %get3A_322, %get3A_323] {strides = array<i32>} : memref<2x128x128xf32, #tpu.memory_space<vmem>>, vector<1x1x16xf32>,
      %get3A_325 = vector.shape_cast %get3A_324 : vector<1x1x16xf32> to vector<16xf32>
      %sub3A_326 = arith.subf %get3A_319, %get3A_325 : vector<16xf32>
      %swap3A_327 = arith.constant 1 : i32
      %swap3A_328 = arith.index_cast %swap3A_327 : i32 to index
      %swap3A_329 = arith.index_cast %scan3A_296 : i32 to index
      %swap3A_330 = arith.constant 16 : index
      %swap3A_331 = tpu.vector_load %arg8[%swap3A_328, %swap3A_329, %swap3A_330] {strides = array<i32>} : memref<2x128x128xf32, #tpu.memory_space<vmem>>, vector<1x1x16xf32>,
      %swap3A_332 = vector.shape_cast %swap3A_331 : vector<1x1x16xf32> to vector<16xf32>
      %swap3A_333 = vector.shape_cast %sub3A_326 : vector<16xf32> to vector<1x1x16xf32>
      tpu.vector_store %arg8[%swap3A_328, %swap3A_329, %swap3A_330], %swap3A_333 {strides = array<i32>} : memref<2x128x128xf32, #tpu.memory_space<vmem>>, vector<1x1x16xf32>,
      %get3A_334 = arith.constant 1 : i32
      %get3A_335 = arith.index_cast %get3A_334 : i32 to index
      %get3A_336 = arith.index_cast %scan3A_296 : i32 to index
      %get3A_337 = arith.constant 32 : index
      %get3A_338 = tpu.vector_load %arg8[%get3A_335, %get3A_336, %get3A_337] {strides = array<i32>} : memref<2x128x128xf32, #tpu.memory_space<vmem>>, vector<1x1x16xf32>,
      %get3A_339 = vector.shape_cast %get3A_338 : vector<1x1x16xf32> to vector<16xf32>
      %get3A_340 = arith.constant 1 : i32
      %get3A_341 = arith.index_cast %get3A_340 : i32 to index
      %get3A_342 = arith.index_cast %scan3A_296 : i32 to index
      %get3A_343 = arith.constant 32 : index
      %get3A_344 = tpu.vector_load %arg9[%get3A_341, %get3A_342, %get3A_343] {strides = array<i32>} : memref<2x128x128xf32, #tpu.memory_space<vmem>>, vector<1x1x16xf32>,
      %get3A_345 = vector.shape_cast %get3A_344 : vector<1x1x16xf32> to vector<16xf32>
      %sub3A_346 = arith.subf %get3A_339, %get3A_345 : vector<16xf32>
      %swap3A_347 = arith.constant 1 : i32
      %swap3A_348 = arith.index_cast %swap3A_347 : i32 to index
      %swap3A_349 = arith.index_cast %scan3A_296 : i32 to index
      %swap3A_350 = arith.constant 32 : index
      %swap3A_351 = tpu.vector_load %arg8[%swap3A_348, %swap3A_349, %swap3A_350] {strides = array<i32>} : memref<2x128x128xf32, #tpu.memory_space<vmem>>, vector<1x1x16xf32>,
      %swap3A_352 = vector.shape_cast %swap3A_351 : vector<1x1x16xf32> to vector<16xf32>
      %swap3A_353 = vector.shape_cast %sub3A_346 : vector<16xf32> to vector<1x1x16xf32>
      tpu.vector_store %arg8[%swap3A_348, %swap3A_349, %swap3A_350], %swap3A_353 {strides = array<i32>} : memref<2x128x128xf32, #tpu.memory_space<vmem>>, vector<1x1x16xf32>,
      %get3A_354 = arith.constant 1 : i32
      %get3A_355 = arith.index_cast %get3A_354 : i32 to index
      %get3A_356 = arith.index_cast %scan3A_296 : i32 to index
      %get3A_357 = arith.constant 48 : index
      %get3A_358 = tpu.vector_load %arg8[%get3A_355, %get3A_356, %get3A_357] {strides = array<i32>} : memref<2x128x128xf32, #tpu.memory_space<vmem>>, vector<1x1x16xf32>,
      %get3A_359 = vector.shape_cast %get3A_358 : vector<1x1x16xf32> to vector<16xf32>
      %get3A_360 = arith.constant 1 : i32
      %get3A_361 = arith.index_cast %get3A_360 : i32 to index
      %get3A_362 = arith.index_cast %scan3A_296 : i32 to index
      %get3A_363 = arith.constant 48 : index
      %get3A_364 = tpu.vector_load %arg9[%get3A_361, %get3A_362, %get3A_363] {strides = array<i32>} : memref<2x128x128xf32, #tpu.memory_space<vmem>>, vector<1x1x16xf32>,
      %get3A_365 = vector.shape_cast %get3A_364 : vector<1x1x16xf32> to vector<16xf32>
      %sub3A_366 = arith.subf %get3A_359, %get3A_365 : vector<16xf32>
      %swap3A_367 = arith.constant 1 : i32
      %swap3A_368 = arith.index_cast %swap3A_367 : i32 to index
      %swap3A_369 = arith.index_cast %scan3A_296 : i32 to index
      %swap3A_370 = arith.constant 48 : index
      %swap3A_371 = tpu.vector_load %arg8[%swap3A_368, %swap3A_369, %swap3A_370] {strides = array<i32>} : memref<2x128x128xf32, #tpu.memory_space<vmem>>, vector<1x1x16xf32>,
      %swap3A_372 = vector.shape_cast %swap3A_371 : vector<1x1x16xf32> to vector<16xf32>
      %swap3A_373 = vector.shape_cast %sub3A_366 : vector<16xf32> to vector<1x1x16xf32>
      tpu.vector_store %arg8[%swap3A_368, %swap3A_369, %swap3A_370], %swap3A_373 {strides = array<i32>} : memref<2x128x128xf32, #tpu.memory_space<vmem>>, vector<1x1x16xf32>,
      %get3A_374 = arith.constant 1 : i32
      %get3A_375 = arith.index_cast %get3A_374 : i32 to index
      %get3A_376 = arith.index_cast %scan3A_296 : i32 to index
      %get3A_377 = arith.constant 64 : index
      %get3A_378 = tpu.vector_load %arg8[%get3A_375, %get3A_376, %get3A_377] {strides = array<i32>} : memref<2x128x128xf32, #tpu.memory_space<vmem>>, vector<1x1x16xf32>,
      %get3A_379 = vector.shape_cast %get3A_378 : vector<1x1x16xf32> to vector<16xf32>
      %get3A_380 = arith.constant 1 : i32
      %get3A_381 = arith.index_cast %get3A_380 : i32 to index
      %get3A_382 = arith.index_cast %scan3A_296 : i32 to index
      %get3A_383 = arith.constant 64 : index
      %get3A_384 = tpu.vector_load %arg9[%get3A_381, %get3A_382, %get3A_383] {strides = array<i32>} : memref<2x128x128xf32, #tpu.memory_space<vmem>>, vector<1x1x16xf32>,
      %get3A_385 = vector.shape_cast %get3A_384 : vector<1x1x16xf32> to vector<16xf32>
      %sub3A_386 = arith.subf %get3A_379, %get3A_385 : vector<16xf32>
      %swap3A_387 = arith.constant 1 : i32
      %swap3A_388 = arith.index_cast %swap3A_387 : i32 to index
      %swap3A_389 = arith.index_cast %scan3A_296 : i32 to index
      %swap3A_390 = arith.constant 64 : index
      %swap3A_391 = tpu.vector_load %arg8[%swap3A_388, %swap3A_389, %swap3A_390] {strides = array<i32>} : memref<2x128x128xf32, #tpu.memory_space<vmem>>, vector<1x1x16xf32>,
      %swap3A_392 = vector.shape_cast %swap3A_391 : vector<1x1x16xf32> to vector<16xf32>
      %swap3A_393 = vector.shape_cast %sub3A_386 : vector<16xf32> to vector<1x1x16xf32>
      tpu.vector_store %arg8[%swap3A_388, %swap3A_389, %swap3A_390], %swap3A_393 {strides = array<i32>} : memref<2x128x128xf32, #tpu.memory_space<vmem>>, vector<1x1x16xf32>,
      %get3A_394 = arith.constant 1 : i32
      %get3A_395 = arith.index_cast %get3A_394 : i32 to index
      %get3A_396 = arith.index_cast %scan3A_296 : i32 to index
      %get3A_397 = arith.constant 80 : index
      %get3A_398 = tpu.vector_load %arg8[%get3A_395, %get3A_396, %get3A_397] {strides = array<i32>} : memref<2x128x128xf32, #tpu.memory_space<vmem>>, vector<1x1x16xf32>,
      %get3A_399 = vector.shape_cast %get3A_398 : vector<1x1x16xf32> to vector<16xf32>
      %get3A_400 = arith.constant 1 : i32
      %get3A_401 = arith.index_cast %get3A_400 : i32 to index
      %get3A_402 = arith.index_cast %scan3A_296 : i32 to index
      %get3A_403 = arith.constant 80 : index
      %get3A_404 = tpu.vector_load %arg9[%get3A_401, %get3A_402, %get3A_403] {strides = array<i32>} : memref<2x128x128xf32, #tpu.memory_space<vmem>>, vector<1x1x16xf32>,
      %get3A_405 = vector.shape_cast %get3A_404 : vector<1x1x16xf32> to vector<16xf32>
      %sub3A_406 = arith.subf %get3A_399, %get3A_405 : vector<16xf32>
      %swap3A_407 = arith.constant 1 : i32
      %swap3A_408 = arith.index_cast %swap3A_407 : i32 to index
      %swap3A_409 = arith.index_cast %scan3A_296 : i32 to index
      %swap3A_410 = arith.constant 80 : index
      %swap3A_411 = tpu.vector_load %arg8[%swap3A_408, %swap3A_409, %swap3A_410] {strides = array<i32>} : memref<2x128x128xf32, #tpu.memory_space<vmem>>, vector<1x1x16xf32>,
      %swap3A_412 = vector.shape_cast %swap3A_411 : vector<1x1x16xf32> to vector<16xf32>
      %swap3A_413 = vector.shape_cast %sub3A_406 : vector<16xf32> to vector<1x1x16xf32>
      tpu.vector_store %arg8[%swap3A_408, %swap3A_409, %swap3A_410], %swap3A_413 {strides = array<i32>} : memref<2x128x128xf32, #tpu.memory_space<vmem>>, vector<1x1x16xf32>,
      %get3A_414 = arith.constant 1 : i32
      %get3A_415 = arith.index_cast %get3A_414 : i32 to index
      %get3A_416 = arith.index_cast %scan3A_296 : i32 to index
      %get3A_417 = arith.constant 96 : index
      %get3A_418 = tpu.vector_load %arg8[%get3A_415, %get3A_416, %get3A_417] {strides = array<i32>} : memref<2x128x128xf32, #tpu.memory_space<vmem>>, vector<1x1x16xf32>,
      %get3A_419 = vector.shape_cast %get3A_418 : vector<1x1x16xf32> to vector<16xf32>
      %get3A_420 = arith.constant 1 : i32
      %get3A_421 = arith.index_cast %get3A_420 : i32 to index
      %get3A_422 = arith.index_cast %scan3A_296 : i32 to index
      %get3A_423 = arith.constant 96 : index
      %get3A_424 = tpu.vector_load %arg9[%get3A_421, %get3A_422, %get3A_423] {strides = array<i32>} : memref<2x128x128xf32, #tpu.memory_space<vmem>>, vector<1x1x16xf32>,
      %get3A_425 = vector.shape_cast %get3A_424 : vector<1x1x16xf32> to vector<16xf32>
      %sub3A_426 = arith.subf %get3A_419, %get3A_425 : vector<16xf32>
      %swap3A_427 = arith.constant 1 : i32
      %swap3A_428 = arith.index_cast %swap3A_427 : i32 to index
      %swap3A_429 = arith.index_cast %scan3A_296 : i32 to index
      %swap3A_430 = arith.constant 96 : index
      %swap3A_431 = tpu.vector_load %arg8[%swap3A_428, %swap3A_429, %swap3A_430] {strides = array<i32>} : memref<2x128x128xf32, #tpu.memory_space<vmem>>, vector<1x1x16xf32>,
      %swap3A_432 = vector.shape_cast %swap3A_431 : vector<1x1x16xf32> to vector<16xf32>
      %swap3A_433 = vector.shape_cast %sub3A_426 : vector<16xf32> to vector<1x1x16xf32>
      tpu.vector_store %arg8[%swap3A_428, %swap3A_429, %swap3A_430], %swap3A_433 {strides = array<i32>} : memref<2x128x128xf32, #tpu.memory_space<vmem>>, vector<1x1x16xf32>,
      %get3A_434 = arith.constant 1 : i32
      %get3A_435 = arith.index_cast %get3A_434 : i32 to index
      %get3A_436 = arith.index_cast %scan3A_296 : i32 to index
      %get3A_437 = arith.constant 112 : index
      %get3A_438 = tpu.vector_load %arg8[%get3A_435, %get3A_436, %get3A_437] {strides = array<i32>} : memref<2x128x128xf32, #tpu.memory_space<vmem>>, vector<1x1x16xf32>,
      %get3A_439 = vector.shape_cast %get3A_438 : vector<1x1x16xf32> to vector<16xf32>
      %get3A_440 = arith.constant 1 : i32
      %get3A_441 = arith.index_cast %get3A_440 : i32 to index
      %get3A_442 = arith.index_cast %scan3A_296 : i32 to index
      %get3A_443 = arith.constant 112 : index
      %get3A_444 = tpu.vector_load %arg9[%get3A_441, %get3A_442, %get3A_443] {strides = array<i32>} : memref<2x128x128xf32, #tpu.memory_space<vmem>>, vector<1x1x16xf32>,
      %get3A_445 = vector.shape_cast %get3A_444 : vector<1x1x16xf32> to vector<16xf32>
      %sub3A_446 = arith.subf %get3A_439, %get3A_445 : vector<16xf32>
      %swap3A_447 = arith.constant 1 : i32
      %swap3A_448 = arith.index_cast %swap3A_447 : i32 to index
      %swap3A_449 = arith.index_cast %scan3A_296 : i32 to index
      %swap3A_450 = arith.constant 112 : index
      %swap3A_451 = tpu.vector_load %arg8[%swap3A_448, %swap3A_449, %swap3A_450] {strides = array<i32>} : memref<2x128x128xf32, #tpu.memory_space<vmem>>, vector<1x1x16xf32>,
      %swap3A_452 = vector.shape_cast %swap3A_451 : vector<1x1x16xf32> to vector<16xf32>
      %swap3A_453 = vector.shape_cast %sub3A_446 : vector<16xf32> to vector<1x1x16xf32>
      tpu.vector_store %arg8[%swap3A_448, %swap3A_449, %swap3A_450], %swap3A_453 {strides = array<i32>} : memref<2x128x128xf32, #tpu.memory_space<vmem>>, vector<1x1x16xf32>,
    }
    %scan3A_254 = arith.constant 128 : i32
    %add3A_255 = arith.constant 384 : i32
    %add3A_256 = arith.addi %mul3A_2, %add3A_255 : i32
    %dma_start3A_257 = arith.constant 1 : i32
    %dma_start3A_258 = arith.constant 0 : i32
    %dma_start3A_259 = arith.constant 0 : i32
    %dma_start3A_260 = tpu.memref_slice %arg8[%dma_start3A_257, %dma_start3A_258, %dma_start3A_259] : memref<2x128x128xf32, #tpu.memory_space<vmem>> -> memref<1x128x128xf32, #tpu.memory_space<vmem>>
    %dma_start3A_261 = tpu.memref_squeeze %dma_start3A_260 : memref<1x128x128xf32, #tpu.memory_space<vmem>> -> memref<128x128xf32, #tpu.memory_space<vmem>>
    %dma_start3A_262 = arith.constant 0 : i32
    %dma_start3A_263 = tpu.memref_slice %arg5[%add3A_256, %dma_start3A_262] : memref<16384x128xf32, #tpu.memory_space<hbm>> -> memref<128x128xf32, #tpu.memory_space<hbm>>
    %dma_start3A_264 = arith.constant 0 : i32
    %dma_start3A_265 = tpu.memref_slice %arg5[%add3A_256, %dma_start3A_264] : memref<16384x128xf32, #tpu.memory_space<hbm>> -> memref<128x128xf32, #tpu.memory_space<hbm>>
    %dma_start3A_266 = arith.constant 0 : i32
    %dma_start3A_267 = arith.constant 0 : i32
    %dma_start3A_268 = tpu.memref_slice %arg8[%dma_start3A_257, %dma_start3A_266, %dma_start3A_267] : memref<2x128x128xf32, #tpu.memory_space<vmem>> -> memref<1x128x128xf32, #tpu.memory_space<vmem>>
    %dma_start3A_269 = tpu.memref_squeeze %dma_start3A_268 : memref<1x128x128xf32, #tpu.memory_space<vmem>> -> memref<128x128xf32, #tpu.memory_space<vmem>>
    tpu.enqueue_dma source(%dma_start3A_269 : memref<128x128xf32, #tpu.memory_space<vmem>>) target(%dma_start3A_265 : memref<128x128xf32, #tpu.memory_space<hbm>>) target_semaphore(%arg13 : memref<!tpu.dma_semaphore, #tpu.memory_space<semaphore_mem>>)
    %dma_wait3A_270 = arith.constant 0 : i32
    %dma_wait3A_271 = arith.constant 0 : i32
    %dma_wait3A_272 = arith.constant 0 : i32
    %dma_wait3A_273 = tpu.memref_slice %arg8[%dma_wait3A_270, %dma_wait3A_271, %dma_wait3A_272] : memref<2x128x128xf32, #tpu.memory_space<vmem>> -> memref<1x128x128xf32, #tpu.memory_space<vmem>>
    %dma_wait3A_274 = tpu.memref_squeeze %dma_wait3A_273 : memref<1x128x128xf32, #tpu.memory_space<vmem>> -> memref<128x128xf32, #tpu.memory_space<vmem>>
    %dma_wait3A_275 = arith.constant 0 : i32
    %dma_wait3A_276 = tpu.memref_slice %arg5[%add3A_215, %dma_wait3A_275] : memref<16384x128xf32, #tpu.memory_space<hbm>> -> memref<128x128xf32, #tpu.memory_space<hbm>>
    %dma_wait3A_277 = arith.constant 0 : i32
    %dma_wait3A_278 = tpu.memref_slice %arg5[%add3A_215, %dma_wait3A_277] : memref<16384x128xf32, #tpu.memory_space<hbm>> -> memref<128x128xf32, #tpu.memory_space<hbm>>
    %dma_wait3A_279 = arith.constant 0 : i32
    %dma_wait3A_280 = arith.constant 0 : i32
    %dma_wait3A_281 = tpu.memref_slice %arg8[%dma_wait3A_270, %dma_wait3A_279, %dma_wait3A_280] : memref<2x128x128xf32, #tpu.memory_space<vmem>> -> memref<1x128x128xf32, #tpu.memory_space<vmem>>
    %dma_wait3A_282 = tpu.memref_squeeze %dma_wait3A_281 : memref<1x128x128xf32, #tpu.memory_space<vmem>> -> memref<128x128xf32, #tpu.memory_space<vmem>>
    tpu.wait_dma2 semaphore(%arg12 : memref<!tpu.dma_semaphore, #tpu.memory_space<semaphore_mem>>) src(%dma_wait3A_282 : memref<128x128xf32, #tpu.memory_space<vmem>>) dst(%dma_wait3A_278 : memref<128x128xf32, #tpu.memory_space<hbm>>)
    %dma_wait3A_283 = arith.constant 1 : i32
    %dma_wait3A_284 = arith.constant 0 : i32
    %dma_wait3A_285 = arith.constant 0 : i32
    %dma_wait3A_286 = tpu.memref_slice %arg8[%dma_wait3A_283, %dma_wait3A_284, %dma_wait3A_285] : memref<2x128x128xf32, #tpu.memory_space<vmem>> -> memref<1x128x128xf32, #tpu.memory_space<vmem>>
    %dma_wait3A_287 = tpu.memref_squeeze %dma_wait3A_286 : memref<1x128x128xf32, #tpu.memory_space<vmem>> -> memref<128x128xf32, #tpu.memory_space<vmem>>
    %dma_wait3A_288 = arith.constant 0 : i32
    %dma_wait3A_289 = tpu.memref_slice %arg5[%add3A_256, %dma_wait3A_288] : memref<16384x128xf32, #tpu.memory_space<hbm>> -> memref<128x128xf32, #tpu.memory_space<hbm>>
    %dma_wait3A_290 = arith.constant 0 : i32
    %dma_wait3A_291 = tpu.memref_slice %arg5[%add3A_256, %dma_wait3A_290] : memref<16384x128xf32, #tpu.memory_space<hbm>> -> memref<128x128xf32, #tpu.memory_space<hbm>>
    %dma_wait3A_292 = arith.constant 0 : i32
    %dma_wait3A_293 = arith.constant 0 : i32
    %dma_wait3A_294 = tpu.memref_slice %arg8[%dma_wait3A_283, %dma_wait3A_292, %dma_wait3A_293] : memref<2x128x128xf32, #tpu.memory_space<vmem>> -> memref<1x128x128xf32, #tpu.memory_space<vmem>>
    %dma_wait3A_295 = tpu.memref_squeeze %dma_wait3A_294 : memref<1x128x128xf32, #tpu.memory_space<vmem>> -> memref<128x128xf32, #tpu.memory_space<vmem>>
    tpu.wait_dma2 semaphore(%arg13 : memref<!tpu.dma_semaphore, #tpu.memory_space<semaphore_mem>>) src(%dma_wait3A_295 : memref<128x128xf32, #tpu.memory_space<vmem>>) dst(%dma_wait3A_291 : memref<128x128xf32, #tpu.memory_space<hbm>>)
    return
  }
}

module attributes {stable_mosaic.version = 14 : i64} {
  func.func @_tc_body(%arg0: i32, %arg1: memref<8192x128xf32, #tpu.memory_space<vmem>>, %arg2: memref<1x1x8192xi32, #tpu.memory_space<vmem>>, %arg3: memref<128x128xf32, #tpu.memory_space<vmem>>, %arg4: memref<128x128xf32, #tpu.memory_space<vmem>>, %arg5: memref<1x128xf32, #tpu.memory_space<vmem>>, %arg6: memref<8192x128xf32, #tpu.memory_space<vmem>>) attributes {dimension_semantics = [#tpu.dimension_semantics<arbitrary>], iteration_bounds = array<i64: 2>, scalar_prefetch = 0 : i64, scratch_operands = 0 : i64, tpu.core_type = #tpu.core_type<tc>, window_params = [{transform_indices = @transform_0, window_bounds = array<i64: 8192, 128>}, {transform_indices = @transform_1, window_bounds = array<i64: 1, 1, 8192>}, {pipeline_mode = #tpu.pipeline_mode<synchronous>, transform_indices = @transform_2, window_bounds = array<i64: 128, 128>}, {pipeline_mode = #tpu.pipeline_mode<synchronous>, transform_indices = @transform_3, window_bounds = array<i64: 128, 128>}, {pipeline_mode = #tpu.pipeline_mode<synchronous>, transform_indices = @transform_4, window_bounds = array<i64: 1, 128>}, {transform_indices = @transform_5, window_bounds = array<i64: 8192, 128>}]} {
    %get3A = arith.constant 0 : index
    %get3A_0 = arith.constant 0 : index
    %get3A_1 = vector.load %arg1[%get3A, %get3A_0] : memref<8192x128xf32, #tpu.memory_space<vmem>>, vector<8192x128xf32>
    %get3A_2 = arith.constant 0 : index
    %get3A_3 = arith.constant 0 : index
    %get3A_4 = vector.load %arg3[%get3A_2, %get3A_3] : memref<128x128xf32, #tpu.memory_space<vmem>>, vector<128x128xf32>
    %dot_general3A = arith.constant dense<0.000000e+00> : vector<8192x128xf32>
    %dot_general3A_5 = tpu.matmul %get3A_1, %get3A_4, %dot_general3A {dimension_numbers = #tpu.dot_dimension_numbers<[1], [0], [0], [1], [0, 0, 1, 1], [], []>, transpose_lhs_hint = false} : vector<8192x128xf32>, vector<128x128xf32>, vector<8192x128xf32> -> vector<8192x128xf32>
    %get3A_6 = arith.constant 0 : index
    %get3A_7 = arith.constant 0 : index
    %get3A_8 = vector.load %arg4[%get3A_6, %get3A_7] : memref<128x128xf32, #tpu.memory_space<vmem>>, vector<128x128xf32>
    %get3A_9 = arith.constant 0 : index
    %get3A_10 = arith.constant 0 : index
    %get3A_11 = vector.load %arg3[%get3A_9, %get3A_10] : memref<128x128xf32, #tpu.memory_space<vmem>>, vector<128x128xf32>
    %dot_general3A_12 = arith.constant dense<0.000000e+00> : vector<128x128xf32>
    %dot_general3A_13 = tpu.matmul %get3A_8, %get3A_11, %dot_general3A_12 {dimension_numbers = #tpu.dot_dimension_numbers<[1], [0], [0], [1], [0, 0, 1, 1], [], []>, transpose_lhs_hint = false} : vector<128x128xf32>, vector<128x128xf32>, vector<128x128xf32> -> vector<128x128xf32>
    %get3A_14 = arith.constant 0 : index
    %get3A_15 = arith.constant 0 : index
    %get3A_16 = vector.load %arg5[%get3A_14, %get3A_15] : memref<1x128xf32, #tpu.memory_space<vmem>>, vector<1x128xf32>
    %add3A = vector.broadcast %get3A_16 : vector<1x128xf32> to vector<128x128xf32>
    %add3A_17 = arith.addf %dot_general3A_13, %add3A : vector<128x128xf32>
    %get3A_18 = arith.constant 0 : index
    %get3A_19 = arith.constant 0 : index
    %get3A_20 = arith.constant 0 : index
    %get3A_21 = vector.load %arg2[%get3A_18, %get3A_19, %get3A_20] : memref<1x1x8192xi32, #tpu.memory_space<vmem>>, vector<1x1x8192xi32>
    %get3A_22 = vector.shape_cast %get3A_21 : vector<1x1x8192xi32> to vector<8192xi32>
    %broadcast_in_dim3A = vector.shape_cast %get3A_22 : vector<8192xi32> to vector<8192x1xi32>
    %iota3A = tpu.iota {dimensions = array<i32: 1>} : vector<8192x128xi32>
    %eq3A = vector.broadcast %broadcast_in_dim3A : vector<8192x1xi32> to vector<8192x128xi32>
    %eq3A_23 = arith.cmpi eq, %eq3A, %iota3A : vector<8192x128xi32>
    %convert_element_type3A = arith.extui %eq3A_23 : vector<8192x128xi1> to vector<8192x128xi32>
    %convert_element_type3A_24 = arith.sitofp %convert_element_type3A : vector<8192x128xi32> to vector<8192x128xf32>
    %dot_general3A_25 = arith.constant dense<0.000000e+00> : vector<8192x128xf32>
    %dot_general3A_26 = tpu.matmul %convert_element_type3A_24, %add3A_17, %dot_general3A_25 {dimension_numbers = #tpu.dot_dimension_numbers<[1], [0], [0], [1], [0, 0, 1, 1], [], []>, transpose_lhs_hint = false} : vector<8192x128xf32>, vector<128x128xf32>, vector<8192x128xf32> -> vector<8192x128xf32>
    %add3A_27 = arith.addf %dot_general3A_5, %dot_general3A_26 : vector<8192x128xf32>
    %tanh3A = math.tanh %add3A_27 : vector<8192x128xf32>
    %swap3A = arith.constant 0 : index
    %swap3A_28 = arith.constant 0 : index
    %swap3A_29 = vector.load %arg6[%swap3A, %swap3A_28] : memref<8192x128xf32, #tpu.memory_space<vmem>>, vector<8192x128xf32>
    tpu.vector_store %arg6[%swap3A, %swap3A_28], %tanh3A {strides = array<i32>} : memref<8192x128xf32, #tpu.memory_space<vmem>>, vector<8192x128xf32>,
    return
  }
  func.func @transform_0(%arg0: i32) -> (i32, i32) {
    %c0_i32 = arith.constant 0 : i32
    %c0_i32_0 = arith.constant 0 : i32
    return %arg0, %c0_i32 : i32, i32
  }
  func.func @transform_1(%arg0: i32) -> (i32, i32, i32) {
    %c0_i32 = arith.constant 0 : i32
    %c0_i32_0 = arith.constant 0 : i32
    %c0_i32_1 = arith.constant 0 : i32
    return %arg0, %c0_i32, %c0_i32_0 : i32, i32, i32
  }
  func.func @transform_2(%arg0: i32) -> (i32, i32) {
    %c0_i32 = arith.constant 0 : i32
    %c0_i32_0 = arith.constant 0 : i32
    %c0_i32_1 = arith.constant 0 : i32
    return %c0_i32, %c0_i32_0 : i32, i32
  }
  func.func @transform_3(%arg0: i32) -> (i32, i32) {
    %c0_i32 = arith.constant 0 : i32
    %c0_i32_0 = arith.constant 0 : i32
    %c0_i32_1 = arith.constant 0 : i32
    return %c0_i32, %c0_i32_0 : i32, i32
  }
  func.func @transform_4(%arg0: i32) -> (i32, i32) {
    %c0_i32 = arith.constant 0 : i32
    %c0_i32_0 = arith.constant 0 : i32
    %c0_i32_1 = arith.constant 0 : i32
    return %c0_i32, %c0_i32_0 : i32, i32
  }
  func.func @transform_5(%arg0: i32) -> (i32, i32) {
    %c0_i32 = arith.constant 0 : i32
    %c0_i32_0 = arith.constant 0 : i32
    return %arg0, %c0_i32 : i32, i32
  }
}

</mosaic_0001>

<sc_bundles>
// kernel: kernel.4.cloned.1.call-start
scs
__scs_entry_jumppad:
0x0: {  	(pc) =	sbr.rel $0x88, $3  }
0x1: {  	(tag) =	ssettag $0x0;
	lr =	simm.s32 $0x1  }
0x2: {  	[smem:$0x3F9A] =	sst lr;
	_ =	strace $0xD0000000  }
0x3: {  	_ = 	snop  }
0x4: {  	_ = 	snop  }
0x5: {  	_ = 	snop  }
0x6: {  	_ = 	snop  }
0x7: {  	_ = 	snop  }
__scs_overlays_trampoline_lowered:
0x8: {  	[smem:$0x3FA9] =	sst s0  }
0x9: {  	[smem:$0x3FAA] =	sst s1  }
0xa: {  	[smem:$0x3FAB] =	sst s2  }
0xb: {  	[smem:$0x3FAC] =	sst s3  }
0xc: {  	[smem:$0x3FAD] =	sst s4  }
0xd: {  	[smem:$0x3FAE] =	sst s5  }
0xe: {  	[smem:$0x3FAF] =	sst s6  }
0xf: {  	[smem:$0x3FB0] =	sst s7  }
0x10: {  	[smem:$0x3FB1] =	sst s8  }
0x11: {  	[smem:$0x3FB2] =	sst s9;
	s0 =	simm.s32 @!p0 $0x0  }
0x12: {  	s1 =	sld [smem:$0x3F98];
	s0 =	simm.s32 @p0 $0x1  }
0x13: {  	[smem:$0x3FB3] =	sst s0;
	s0 =	simm.s32 @!p1 $0x0  }
0x14: {  	s2 =	sld [smem:$0x3F97];
	s0 =	simm.s32 @p1 $0x1  }
0x15: {  	[smem:$0x3FB4] =	sst s0;
	s0 =	simm.s32 @!p2 $0x0  }
0x16: {  	s3 =	sld [smem:$0x3FDB];
	s0 =	simm.s32 @p2 $0x1  }
0x17: {  	s4 =	simm.s32 $0x1BF5;
	[smem:$0x3FB6] =	sst s0  }
0x18: {  	s0 =	sld [smem:$0x3F99];
	_ =	swait.ge [sflag:s4], $0x0  }
0x19: {  	s7 =	sld [smem:$0x3F9A]  }
0x1a: {  	s8 =	sadd.s32 $0xFFFFE003, lr  }
0x1b: {  	s9 =	sadd.s32 $0xFFFFFEF7, lr;
	s5 =	simm.s32 $0xFFFFFFFF;
	p2 =	slt.u32 s8, $0xFFFFF086  }
0x1c: {  	p1 =	slt.u32 s9, $0xF7A;
	s5 =	simm.s32 @!p2 $0x0  }
0x1d: {  	s5 =	simm.s32 @p1 $0x1;
	p0 =	seq.s32 s7, s2  }
0x1e: {  	s7 =	smul.u32 @!p0 $0xF7A, s2;
	p2 =	seq.s32 @!p0 s5, $0x0  }
0x1f: {  	s9 =	smul.u32 $0xF7A, s1;
	s8 =	simm.s32 @!p0 $0x1BF5;
	p2 =	por !p2, p0  }
0x20: {  	[sflag:s8] =	ssyncset.s32 @!p0 $0xFFFFF086;
	s6 =	sadd.s32 @!p0 s3, s7;
	s7 =	simm.s32 @!p0 $0x108  }
0x21: {  	s3 =	sadd.s32 s3, s9;
	s6 =	sadd.s32 @!p0 $0x88, s6;
	s7 =	simm.s32 @p2 $0x1082  }
0x22: {  	[simem:s7], [sflag:s8] =	dma.local @!p0 [hbm:s6], $0xF7A  }
0x23: {  	s9 =	sor.u32 $0xD0000000, s2;
	s6 =	simm.s32 $0x108;
	_ =	swait.ge @!p0 [sflag:s8], $0x0  }
0x24: {  	s3 =	sadd.s32 $0x88, s3;
	s6 =	simm.s32 @!p1 $0x1082;
	[sflag:s4] =	ssyncset.s32 $0xFFFFF086  }
0x25: {  	[simem:s6], [sflag:s4] =	dma.local [hbm:s3], $0xF7A  }
0x26: {  	[smem:$0x3F9A] =	sst s1;
	(tag) =	ssettag s2;
	_ =	strace s9  }
0x27: {  	s1 =	sld [smem:$0x3FAA]  }
0x28: {  	s2 =	sld [smem:$0x3FAB]  }
0x29: {  	s4 =	sld [smem:$0x3FAD]  }
0x2a: {  	p0 =	seq.s32 s5, $0x0;
	s5 =	sld [smem:$0x3FAE]  }
0x2b: {  	s6 =	sld [smem:$0x3FAF]  }
0x2c: {  	s7 =	sld [smem:$0x3FB0]  }
0x2d: {  	s3 =	simm.s32 $0x108;
	s8 =	sld [smem:$0x3FB1]  }
0x2e: {  	s3 =	simm.s32 @!p0 $0x1082;
	s9 =	sld [smem:$0x3FB2]  }
0x2f: {  	lr =	sadd.s32 s0, s3;
	s0 =	sld [smem:$0x3FA9]  }
0x30: {  	s3 =	sld [smem:$0x3FAC]  }
0x31: {  	[smem:$0x3FB5] =	sst s10  }
0x32: {  	s10 =	sld [smem:$0x3FB3];
	_ =	sdelay $0x3  }
0x33: {  	p0 =	seq.s32 s10, $0x1;
	s10 =	sld [smem:$0x3FB5];
	_ =	sdelay $0x3  }
0x34: {  	[smem:$0x3FB5] =	sst s10  }
0x35: {  	s10 =	sld [smem:$0x3FB4];
	_ =	sdelay $0x3  }
0x36: {  	p1 =	seq.s32 s10, $0x1;
	s10 =	sld [smem:$0x3FB5];
	_ =	sdelay $0x3  }
0x37: {  	[smem:$0x3FB5] =	sst s10  }
0x38: {  	s10 =	sld [smem:$0x3FB6]  }
0x39: {  	_ = 	snop;
	(pc) =	sbr.ind lr, $3  }
0x3a: {  	_ = 	snop  }
0x3b: {  	_ = 	snop  }
0x3c: {  	p2 =	seq.s32 s10, $0x1;
	s10 =	sld [smem:$0x3FB5]  }
0x3d: {  	_ =	shalt  }
0x3e: {  	_ =	shalt  }
0x3f: {  	_ =	shalt  }
0x40: {  	_ =	shalt  }
0x41: {  	_ =	shalt  }
0x42: {  	_ =	shalt  }
0x43: {  	_ =	shalt  }
0x44: {  	_ =	shalt  }
0x45: {  	_ =	shalt  }
0x46: {  	_ =	shalt  }
0x47: {  	_ =	shalt  }
0x48: {  	_ =	shalt  }
0x49: {  	_ =	shalt  }
0x4a: {  	_ =	shalt  }
0x4b: {  	_ =	shalt  }
0x4c: {  	_ =	shalt  }
0x4d: {  	_ =	shalt  }
0x4e: {  	_ =	shalt  }
0x4f: {  	_ =	shalt  }
0x50: {  	_ =	shalt  }
0x51: {  	_ =	shalt  }
0x52: {  	_ =	shalt  }
0x53: {  	_ =	shalt  }
0x54: {  	_ =	shalt  }
0x55: {  	_ =	shalt  }
0x56: {  	_ =	shalt  }
0x57: {  	_ =	shalt  }
0x58: {  	_ =	shalt  }
0x59: {  	_ =	shalt  }
0x5a: {  	_ =	shalt  }
0x5b: {  	_ =	shalt  }
0x5c: {  	_ =	shalt  }
0x5d: {  	_ =	shalt  }
0x5e: {  	_ =	shalt  }
0x5f: {  	_ =	shalt  }
0x60: {  	_ =	shalt  }
0x61: {  	_ =	shalt  }
0x62: {  	_ =	shalt  }
0x63: {  	_ =	shalt  }
0x64: {  	_ =	shalt  }
0x65: {  	_ =	shalt  }
0x66: {  	_ =	shalt  }
0x67: {  	_ =	shalt  }
0x68: {  	_ =	shalt  }
0x69: {  	_ =	shalt  }
0x6a: {  	_ =	shalt  }
0x6b: {  	_ =	shalt  }
0x6c: {  	_ =	shalt  }
0x6d: {  	_ =	shalt  }
0x6e: {  	_ =	shalt  }
0x6f: {  	_ =	shalt  }
0x70: {  	_ =	shalt  }
0x71: {  	_ =	shalt  }
0x72: {  	_ =	shalt  }
0x73: {  	_ =	shalt  }
0x74: {  	_ =	shalt  }
0x75: {  	_ =	shalt  }
0x76: {  	_ =	shalt  }
0x77: {  	_ =	shalt  }
0x78: {  	_ =	shalt  }
0x79: {  	_ =	shalt  }
0x7a: {  	_ =	shalt  }
0x7b: {  	_ =	shalt  }
0x7c: {  	_ =	shalt  }
0x7d: {  	_ =	shalt  }
0x7e: {  	_ =	shalt  }
0x7f: {  	_ =	shalt  }
0x80: {  	_ =	shalt  }
0x81: {  	_ =	shalt  }
0x82: {  	_ =	shalt  }
0x83: {  	_ =	shalt  }
0x84: {  	_ =	shalt  }
0x85: {  	_ =	shalt  }
0x86: {  	_ =	shalt  }
0x87: {  	_ =	shalt  }
.Lfunc_end0:
.L_simem_size_0:
called_computation_lowered:
.L_overlay_start_0:
0x88: {  	s2 =	sld [smem:$0x3FD9]  }
0x89: {  	s3 =	sld [smem:$0x3FFE];
	_ =	sdelay $0x1  }
0x8a: {  	s1 =	srdreg.scid  }
0x8b: {  	s0 =	sand.u32 $0x1, s1  }
0x8c: {  	s18 =	sshll.u32 s0, $0xA;
	s2 =	sadd.s32 s3, s2  }
0x8d: {  	s2 =	sadd.s32 s2, s18  }
0x8e: {  	[smem:$0x3FC1] =	sst s2  }
0x8f: {  	_ = 	snop  }
0x90: {  	s2 =	sld [smem:$0x3FC9]  }
0x91: {  	s19 =	sld [smem:$0x3FC7]  }
0x92: {  	s4 =	sld [smem:$0x3FC6]  }
0x93: {  	s5 =	sld [smem:$0x3FD0];
	(tm) =	ssettm $0x1  }
0x94: {  	s6 =	sld [smem:$0x3FFB];
	_ =	sdelay $0x3  }
0x95: {  	_ =	strace s6  }
0x96: {  	s6 =	sld [smem:$0x3FFC];
	_ =	sdelay $0x3  }
0x97: {  	_ =	strace s6  }
0x98: {  	s6 =	sld [smem:$0x3FFD];
	_ =	sdelay $0x3  }
0x99: {  	_ =	strace s6  }
0x9a: {  	_ =	strace $0x8FFFFFFF  }
0x9b: {  	s20 =	sld [smem:$0x3FDB];
	_ =	sdelay $0x1  }
0x9c: {  	s7 =	simm.s32 $_scs_section_size  }
0x9d: {  	s8 =	simm.s32 $_size__tile_overlayer_lowered;
	s9 =	simm.s32 $_tile_overlayer_lowered  }
0x9e: {  	s23 =	simm.s32 $0x1BFF;
	s22 =	sshll.u32 s9, $0x1;
	s6 =	sadd.s32 s7, s20  }
0x9f: {  	s10 =	simm.s32 $0x0;
	s21 =	sshll.u32 s8, $0x1;
	s8 =	sadd.s32 s22, s6  }
0xa0: {  	[timem:s10], [sflag:s23] =	dma.local [hbm:s8], s21  }
0xa1: {  	_ =	swait.ge [sflag:s23], s21  }
0xa2: {  	s7 =	ssub.s32 $0x0, s21;
	[sflag:s23] =	ssyncset.done $0x0  }
0xa3: {  	[sflag:s23] =	ssyncadd.s32 s7;
	_ =	sdelay $0x1  }
0xa4: {  	s24 =	simm.s32 $0x1B8B  }
0xa5: {  	_ =	swait.ge [sflag:s24], $0x1  }
0xa6: {  	[sflag:s24] =	ssyncset.done $0x0  }
0xa7: {  	s25 =	simm.s32 $0x1B8E;
	[sflag:s24] =	ssyncadd.s32 $0xFFFFFFFF  }
0xa8: {  	s26 =	simm.s32 $execute0_lowered;
	[smem:$0x3FD2] =	sst s25  }
0xa9: {  	s7 =	sshll.u32 s26, $0x1;
	_ =	strace $0x80000046;
	[dreg:$0x1] =	wrdreg $0xFFFFFFFF  }
0xaa: {  	s28 =	simm.s32 $_size_execute0_lowered;
	s6 =	sadd.s32 s6, s7;
	[dreg:$0x0] =	wrdreg $0x0  }
0xab: {  	s7 =	sshll.u32 s28, $0x1;
	[dreg:$0x2] =	wrdreg s6  }
0xac: {  	[dreg:$0x3] =	wrdreg s7  }
0xad: {  	[dreg:$0x4] =	wrdreg $0xC0  }
0xae: {  	_ =	task [dreg:s10], $0x5FFFF  }
0xaf: {  	[dreg:$0x1] =	wrdreg $0xFFFFFFFF  }
0xb0: {  	[dreg:$0x0] =	wrdreg $0x60  }
0xb1: {  	[dreg:$0x2] =	wrdreg s2  }
0xb2: {  	[dreg:$0x3] =	wrdreg s19  }
0xb3: {  	[dreg:$0x4] =	wrdreg s4  }
0xb4: {  	[dreg:$0x5] =	wrdreg s5  }
0xb5: {  	[dreg:$0x6] =	wrdreg $0x9  }
0xb6: {  	_ =	task.clear_ibuf [dreg:s10], $0x7FFFF;
	_ =	strace $0x90000046  }
0xb7: {  	s29 =	simm.s32 $0x9;
	_ =	strace $0x80000048  }
0xb8: {  	_ =	swait.ge [sflag:s29], $0x1  }
0xb9: {  	[sflag:s29] =	ssyncadd.s32 $0xFFFFFFFF  }
0xba: {  	_ =	strace $0x90000048  }
0xbb: {  	_ =	sfence  }
0xbc: {  	s30 =	sld [smem:$0x0];
	_ =	sdelay $0x2  }
0xbd: {  	s31 =	sshll.u32 s1, $0xD;
	s1 =	sshrl.u32 s1, $0x2  }
0xbe: {  	s3 =	sand.u32 $0x4000, s31;
	s1 =	sadd.s32 s1, s30  }
0xbf: {  	s0 =	sor.u32 s3, s0;
	s1 =	sshll.u32 s1, $0x11  }
0xc0: {  	s0 =	sor.u32 s1, s0  }
0xc1: {  	s0 =	sadd.s32 $0x8F2B, s0  }
0xc2: {  	[sflag:s0] =	ssyncadd.remote.s32 $0x1  }
0xc3: {  	_ =	sfence.sel $0xFFFF  }
0xc4: {  	[dreg:$0x0] =	wrdreg $0xFFFFFFFF;
	(pc) =	sbr.abs _section_cstart, $3  }
0xc5: {  	[dreg:$0x1] =	wrdreg $0xFFFFFFFF  }
0xc6: {  	_ =	task.clear_ibuf [dreg:s10], $0x2FFFF;
	_ =	strace $0x9FFFFFFF  }
0xc7: {  	(tm) =	ssettm $0x7FFFFFFF  }
tec
execute0_lowered:
.L_overlay_start_1:
0x0: {  	(tag) =	ssettag $0x1  }
0x1: {  	s4 =	rddreg [dreg:$0x0]  }
0x2: {  	s5 =	rddreg [dreg:$0x1]  }
0x3: {  	s1 =	rddreg [dreg:$0x2]  }
0x4: {  	s6 =	rddreg [dreg:$0x3]  }
0x5: {  	s0 =	rddreg [dreg:$0x4];
	s3 =	simm.s32 $0x0;
	s7 =	srdreg.scid  }
0x6: {  	s2 =	stileid.u32;
	s11 =	simm.s32 $0x5;
	s12 =	simm.s32 $0x200  }
0x7: {  	s13 =	simm.s32 $0x80;
	s14 =	simm.s32 $0x400;
	s15 =	simm.s32 $0x8400  }
0x8: {  	s16 =	simm.s32 $0x4400;
	s17 =	simm.s32 $0x280;
	s18 =	simm.s32 $0xC400  }
0x9: {  	s19 =	simm.s32 $0x1;
	s20 =	simm.s32 $0x3;
	s21 =	simm.s32 $0x100  }
0xa: {  	s22 =	simm.s32 $0x300;
	s23 =	simm.s32 $0x2;
	s24 =	simm.s32 $0x4  }
0xb: {  	s25 =	simm.s32 $0x180;
	s26 =	simm.s32 $0x380;
	s7 =	sand.u32 $0x1, s7  }
0xc: {  	s9 =	sshll.u32 s2, $0xA;
	s8 =	ssub.s32 $0x2, s7;
	s7 =	sshll.u32 s7, $0x9  }
0xd: {  	s28 =	simm.s32 $0x0;
	[smem:$0x7FF] =	sst s3;
	s7 =	sor.u32 s7, s9  }
0xe: {  	_ =	strace $0x80000047;
	s10 =	sshrl.u32 s8, $0x1;
	s31 =	sshrl.u32 s7, $0x3  }
0xf: {  	s10 =	ssub.s32 s8, s10;
	s7 =	sshll.u32 s7, $0x4;
	s4 =	sadd.s32 s4, s31  }
0x10: {  	s5 =	sadd.s32 s5, s31;
	s6 =	sadd.s32 s6, s7;
	s10 =	smax.u32 s10, $0x1  }
0x11: {  	s7 =	sadd.s32 $0x800, s6;
	s8 =	sadd.s32 $0x1000, s6;
	s9 =	sadd.s32 $0x1800, s6  }
.LBB2_1:
0x12: {  	[tilespmem:s3], [sflag:$0x5] =	stream.linear.gather [hbm4b:s4+s3], $0x200, $0x38;
	[tilespmem:$0x10400] =	vst v63  }
0x13: {  	_ =	swait.ge [sflag:s11], $0x200  }
0x14: {  	[sflag:s11] =	ssyncset.done $0x0  }
0x15: {  	[sflag:s11] =	ssyncadd.s32 $0xFFFFFE00  }
0x16: {  	[tilespmem:s12], [sflag:$0x5] =	stream.linear.gather [hbm4b:s5+s3], $0x200, $0x38;
	[tilespmem:$0x10400] =	vst v63  }
0x17: {  	_ =	swait.ge [sflag:s11], $0x200  }
0x18: {  	[sflag:s11] =	ssyncset.done $0x0  }
0x19: {  	[sflag:s11] =	ssyncadd.s32 $0xFFFFFE00  }
0x1a: {  	[tilespmem:s14], [sflag:$0x1] =	stream.indirect.gather [hbm4b:s1+s13], $0x80, s3, s13, $0xb8;
	[tilespmem:$0x10400] =	vst v63  }
0x1b: {  	_ = 	snop  }
0x1c: {  	[tilespmem:s15], [sflag:$0x1] =	stream.indirect.gather [hbm4b:s1+s13], $0x80, s12, s13, $0xb8;
	[tilespmem:$0x10400] =	vst v63  }
0x1d: {  	_ = 	snop  }
0x1e: {  	[tilespmem:s16], [sflag:$0x2] =	stream.indirect.gather [hbm4b:s1+s13], $0x80, s13, s13, $0xb8;
	[tilespmem:$0x10400] =	vst v63  }
0x1f: {  	_ = 	snop  }
0x20: {  	[tilespmem:s18], [sflag:$0x2] =	stream.indirect.gather [hbm4b:s1+s13], $0x80, s17, s13, $0xb8;
	[tilespmem:$0x10400] =	vst v63  }
0x21: {  	_ =	swait.ge [sflag:s19], $0x4000  }
0x22: {  	[sflag:s19] =	ssyncset.done $0x0  }
0x23: {  	[sflag:s19] =	ssyncadd.s32 $0xFFFFC000  }
0x24: {  	_ =	swait.ge [sflag:s19], $0x4000  }
0x25: {  	[sflag:s19] =	ssyncset.done $0x0  }
0x26: {  	s29 =	simm.s32 $0x0;
	[sflag:s19] =	ssyncadd.s32 $0xFFFFC000  }
0x27: {  	v7 =	vld [tilespmem:s29+$0x8400]  }
0x28: {  	v11 =	vld [tilespmem:s29+$0x8410]  }
0x29: {  	v5 =	vld [tilespmem:s29+$0x8420]  }
0x2a: {  	v4 =	vld [tilespmem:s29+$0x8430]  }
0x2b: {  	v3 =	vld [tilespmem:s29+$0x8440]  }
0x2c: {  	v2 =	vld [tilespmem:s29+$0x8450]  }
0x2d: {  	v1 =	vld [tilespmem:s29+$0x8460]  }
0x2e: {  	v0 =	vld [tilespmem:s29+$0x8470]  }
0x2f: {  	v12 =	vld [tilespmem:s29+$0x400]  }
0x30: {  	v13 =	vld [tilespmem:s29+$0x410]  }
0x31: {  	v10 =	vld [tilespmem:s29+$0x420]  }
0x32: {  	v9 =	vld [tilespmem:s29+$0x430]  }
0x33: {  	v8 =	vld [tilespmem:s29+$0x440]  }
0x34: {  	v6 =	vld [tilespmem:s29+$0x450];
	v12 =	vsub.f32 v12, v7  }
0x35: {  	s30 =	simm.s32 $0x200;
	v11 =	vsub.f32 v13, v11;
	v7 =	vld [tilespmem:s29+$0x460]  }
.LBB2_2:
0x36: {  	s31 =	sshra.s32 s30, $0x2;
	p0 =	sne.s32 s30, $0xFE00;
	[tilespmem:s29+$0x400] =	vst v12;
	v5 =	vsub.f32 v10, v5;
	v10 =	vld [tilespmem:s29+$0x470]  }
0x37: {  	v12 =	vld [tilespmem:s31+$0x8400];
	[tilespmem:s29+$0x410] =	vst v11;
	v4 =	vsub.f32 v9, v4  }
0x38: {  	v11 =	vld [tilespmem:s31+$0x8410];
	[tilespmem:s29+$0x420] =	vst v5;
	v3 =	vsub.f32 v8, v3  }
0x39: {  	v5 =	vld [tilespmem:s31+$0x8420];
	[tilespmem:s29+$0x430] =	vst v4;
	v2 =	vsub.f32 v6, v2  }
0x3a: {  	v4 =	vld [tilespmem:s31+$0x8430];
	[tilespmem:s29+$0x440] =	vst v3;
	v1 =	vsub.f32 v7, v1  }
0x3b: {  	v3 =	vld [tilespmem:s31+$0x8440];
	[tilespmem:s29+$0x450] =	vst v2;
	v0 =	vsub.f32 v10, v0  }
0x3c: {  	v2 =	vld [tilespmem:s31+$0x8450];
	[tilespmem:s29+$0x460] =	vst v1  }
0x3d: {  	v1 =	vld [tilespmem:s31+$0x8460];
	[tilespmem:s29+$0x470] =	vst v0;
	s29 =	smov.u32 s31  }
0x3e: {  	v0 =	vld [tilespmem:s29+$0x8470]  }
0x3f: {  	v6 =	vld [tilespmem:s29+$0x400]  }
0x40: {  	v7 =	vld [tilespmem:s29+$0x410]  }
.Ltmp0:
0x41: {  	v10 =	vld [tilespmem:s29+$0x420];
	(pc) =	sbr.rel @p0 .LBB2_2-.Ltmp0, $4  }
0x42: {  	v9 =	vld [tilespmem:s29+$0x430]  }
0x43: {  	v8 =	vld [tilespmem:s29+$0x440]  }
0x44: {  	v12 =	vsub.f32 v6, v12;
	v6 =	vld [tilespmem:s29+$0x450]  }
0x45: {  	s30 =	sadd.s32 $0x200, s30;
	v11 =	vsub.f32 v7, v11;
	v7 =	vld [tilespmem:s29+$0x460]  }
0x46: {  	[tilespmem:s29+$0x400] =	vst v12;
	v5 =	vsub.f32 v10, v5;
	v10 =	vld [tilespmem:s29+$0x470]  }
0x47: {  	[tilespmem:s29+$0x410] =	vst v11;
	v4 =	vsub.f32 v9, v4  }
0x48: {  	[tilespmem:s29+$0x420] =	vst v5;
	v3 =	vsub.f32 v8, v3  }
0x49: {  	[tilespmem:s29+$0x430] =	vst v4;
	v2 =	vsub.f32 v6, v2  }
0x4a: {  	[tilespmem:s29+$0x440] =	vst v3;
	v1 =	vsub.f32 v7, v1  }
0x4b: {  	[tilespmem:s29+$0x450] =	vst v2;
	v0 =	vsub.f32 v10, v0  }
0x4c: {  	[tilespmem:s29+$0x460] =	vst v1  }
0x4d: {  	[tilespmem:s29+$0x470] =	vst v0;
	s29 =	simm.s32 $0x0  }
0x4e: {  	[hbm4b:s6+s29] =	stream.linear.scatter [tilespmem:s14], [sflag:$0x3], $0x4000, $0x38;
	[tilespmem:$0x10400] =	vst v63  }
0x4f: {  	_ =	swait.ge [sflag:s20], $0x4000  }
0x50: {  	[sflag:s20] =	ssyncset.done $0x0  }
0x51: {  	[sflag:s20] =	ssyncadd.s32 $0xFFFFC000  }
0x52: {  	[tilespmem:s14], [sflag:$0x1] =	stream.indirect.gather [hbm4b:s1+s13], $0x80, s21, s13, $0xb8;
	[tilespmem:$0x10400] =	vst v63  }
0x53: {  	_ = 	snop  }
0x54: {  	[tilespmem:s15], [sflag:$0x1] =	stream.indirect.gather [hbm4b:s1+s13], $0x80, s22, s13, $0xb8;
	[tilespmem:$0x10400] =	vst v63  }
0x55: {  	_ =	swait.ge [sflag:s23], $0x4000  }
0x56: {  	[sflag:s23] =	ssyncset.done $0x0  }
0x57: {  	[sflag:s23] =	ssyncadd.s32 $0xFFFFC000  }
0x58: {  	_ =	swait.ge [sflag:s23], $0x4000  }
0x59: {  	[sflag:s23] =	ssyncset.done $0x0  }
0x5a: {  	s29 =	simm.s32 $0x0;
	[sflag:s23] =	ssyncadd.s32 $0xFFFFC000  }
0x5b: {  	v7 =	vld [tilespmem:s29+$0xC400]  }
0x5c: {  	v11 =	vld [tilespmem:s29+$0xC410]  }
0x5d: {  	v5 =	vld [tilespmem:s29+$0xC420]  }
0x5e: {  	v4 =	vld [tilespmem:s29+$0xC430]  }
0x5f: {  	v3 =	vld [tilespmem:s29+$0xC440]  }
0x60: {  	v2 =	vld [tilespmem:s29+$0xC450]  }
0x61: {  	v1 =	vld [tilespmem:s29+$0xC460]  }
0x62: {  	v0 =	vld [tilespmem:s29+$0xC470]  }
0x63: {  	v12 =	vld [tilespmem:s29+$0x4400]  }
0x64: {  	v13 =	vld [tilespmem:s29+$0x4410]  }
0x65: {  	v10 =	vld [tilespmem:s29+$0x4420]  }
0x66: {  	v9 =	vld [tilespmem:s29+$0x4430]  }
0x67: {  	v8 =	vld [tilespmem:s29+$0x4440]  }
0x68: {  	v6 =	vld [tilespmem:s29+$0x4450];
	v12 =	vsub.f32 v12, v7  }
0x69: {  	s30 =	simm.s32 $0x200;
	v11 =	vsub.f32 v13, v11;
	v7 =	vld [tilespmem:s29+$0x4460]  }
.LBB2_4:
0x6a: {  	s31 =	sshra.s32 s30, $0x2;
	p0 =	sne.s32 s30, $0xFE00;
	[tilespmem:s29+$0x4400] =	vst v12;
	v5 =	vsub.f32 v10, v5;
	v10 =	vld [tilespmem:s29+$0x4470]  }
0x6b: {  	v12 =	vld [tilespmem:s31+$0xC400];
	[tilespmem:s29+$0x4410] =	vst v11;
	v4 =	vsub.f32 v9, v4  }
0x6c: {  	v11 =	vld [tilespmem:s31+$0xC410];
	[tilespmem:s29+$0x4420] =	vst v5;
	v3 =	vsub.f32 v8, v3  }
0x6d: {  	v5 =	vld [tilespmem:s31+$0xC420];
	[tilespmem:s29+$0x4430] =	vst v4;
	v2 =	vsub.f32 v6, v2  }
0x6e: {  	v4 =	vld [tilespmem:s31+$0xC430];
	[tilespmem:s29+$0x4440] =	vst v3;
	v1 =	vsub.f32 v7, v1  }
0x6f: {  	v3 =	vld [tilespmem:s31+$0xC440];
	[tilespmem:s29+$0x4450] =	vst v2;
	v0 =	vsub.f32 v10, v0  }
0x70: {  	v2 =	vld [tilespmem:s31+$0xC450];
	[tilespmem:s29+$0x4460] =	vst v1  }
0x71: {  	v1 =	vld [tilespmem:s31+$0xC460];
	[tilespmem:s29+$0x4470] =	vst v0;
	s29 =	smov.u32 s31  }
0x72: {  	v0 =	vld [tilespmem:s29+$0xC470]  }
0x73: {  	v6 =	vld [tilespmem:s29+$0x4400]  }
0x74: {  	v7 =	vld [tilespmem:s29+$0x4410]  }
.Ltmp1:
0x75: {  	v10 =	vld [tilespmem:s29+$0x4420];
	(pc) =	sbr.rel @p0 .LBB2_4-.Ltmp1, $4  }
0x76: {  	v9 =	vld [tilespmem:s29+$0x4430]  }
0x77: {  	v8 =	vld [tilespmem:s29+$0x4440]  }
0x78: {  	v12 =	vsub.f32 v6, v12;
	v6 =	vld [tilespmem:s29+$0x4450]  }
0x79: {  	s30 =	sadd.s32 $0x200, s30;
	v11 =	vsub.f32 v7, v11;
	v7 =	vld [tilespmem:s29+$0x4460]  }
0x7a: {  	[tilespmem:s29+$0x4400] =	vst v12;
	v5 =	vsub.f32 v10, v5;
	v10 =	vld [tilespmem:s29+$0x4470]  }
0x7b: {  	[tilespmem:s29+$0x4410] =	vst v11;
	v4 =	vsub.f32 v9, v4  }
0x7c: {  	[tilespmem:s29+$0x4420] =	vst v5;
	v3 =	vsub.f32 v8, v3  }
0x7d: {  	[tilespmem:s29+$0x4430] =	vst v4;
	v2 =	vsub.f32 v6, v2  }
0x7e: {  	[tilespmem:s29+$0x4440] =	vst v3;
	v1 =	vsub.f32 v7, v1  }
0x7f: {  	[tilespmem:s29+$0x4450] =	vst v2;
	v0 =	vsub.f32 v10, v0  }
0x80: {  	[tilespmem:s29+$0x4460] =	vst v1  }
0x81: {  	[tilespmem:s29+$0x4470] =	vst v0;
	s29 =	simm.s32 $0x0  }
0x82: {  	[hbm4b:s7+s29] =	stream.linear.scatter [tilespmem:s16], [sflag:$0x4], $0x4000, $0x38;
	[tilespmem:$0x10400] =	vst v63  }
0x83: {  	_ =	swait.ge [sflag:s24], $0x4000  }
0x84: {  	[sflag:s24] =	ssyncset.done $0x0  }
0x85: {  	[sflag:s24] =	ssyncadd.s32 $0xFFFFC000  }
0x86: {  	[tilespmem:s16], [sflag:$0x2] =	stream.indirect.gather [hbm4b:s1+s13], $0x80, s25, s13, $0xb8;
	[tilespmem:$0x10400] =	vst v63  }
0x87: {  	_ = 	snop  }
0x88: {  	[tilespmem:s18], [sflag:$0x2] =	stream.indirect.gather [hbm4b:s1+s13], $0x80, s26, s13, $0xb8;
	[tilespmem:$0x10400] =	vst v63  }
0x89: {  	_ =	swait.ge [sflag:s19], $0x4000  }
0x8a: {  	[sflag:s19] =	ssyncset.done $0x0  }
0x8b: {  	[sflag:s19] =	ssyncadd.s32 $0xFFFFC000  }
0x8c: {  	_ =	swait.ge [sflag:s19], $0x4000  }
0x8d: {  	[sflag:s19] =	ssyncset.done $0x0  }
0x8e: {  	s29 =	simm.s32 $0x0;
	[sflag:s19] =	ssyncadd.s32 $0xFFFFC000  }
0x8f: {  	v7 =	vld [tilespmem:s29+$0x8400]  }
0x90: {  	v11 =	vld [tilespmem:s29+$0x8410]  }
0x91: {  	v5 =	vld [tilespmem:s29+$0x8420]  }
0x92: {  	v4 =	vld [tilespmem:s29+$0x8430]  }
0x93: {  	v3 =	vld [tilespmem:s29+$0x8440]  }
0x94: {  	v2 =	vld [tilespmem:s29+$0x8450]  }
0x95: {  	v1 =	vld [tilespmem:s29+$0x8460]  }
0x96: {  	v0 =	vld [tilespmem:s29+$0x8470]  }
0x97: {  	v12 =	vld [tilespmem:s29+$0x400]  }
0x98: {  	v13 =	vld [tilespmem:s29+$0x410]  }
0x99: {  	v10 =	vld [tilespmem:s29+$0x420]  }
0x9a: {  	v9 =	vld [tilespmem:s29+$0x430]  }
0x9b: {  	v8 =	vld [tilespmem:s29+$0x440]  }
0x9c: {  	v6 =	vld [tilespmem:s29+$0x450];
	v12 =	vsub.f32 v12, v7  }
0x9d: {  	s30 =	simm.s32 $0x200;
	v11 =	vsub.f32 v13, v11;
	v7 =	vld [tilespmem:s29+$0x460]  }
.LBB2_6:
0x9e: {  	s31 =	sshra.s32 s30, $0x2;
	p0 =	sne.s32 s30, $0xFE00;
	[tilespmem:s29+$0x400] =	vst v12;
	v5 =	vsub.f32 v10, v5;
	v10 =	vld [tilespmem:s29+$0x470]  }
0x9f: {  	v12 =	vld [tilespmem:s31+$0x8400];
	[tilespmem:s29+$0x410] =	vst v11;
	v4 =	vsub.f32 v9, v4  }
0xa0: {  	v11 =	vld [tilespmem:s31+$0x8410];
	[tilespmem:s29+$0x420] =	vst v5;
	v3 =	vsub.f32 v8, v3  }
0xa1: {  	v5 =	vld [tilespmem:s31+$0x8420];
	[tilespmem:s29+$0x430] =	vst v4;
	v2 =	vsub.f32 v6, v2  }
0xa2: {  	v4 =	vld [tilespmem:s31+$0x8430];
	[tilespmem:s29+$0x440] =	vst v3;
	v1 =	vsub.f32 v7, v1  }
0xa3: {  	v3 =	vld [tilespmem:s31+$0x8440];
	[tilespmem:s29+$0x450] =	vst v2;
	v0 =	vsub.f32 v10, v0  }
0xa4: {  	v2 =	vld [tilespmem:s31+$0x8450];
	[tilespmem:s29+$0x460] =	vst v1  }
0xa5: {  	v1 =	vld [tilespmem:s31+$0x8460];
	[tilespmem:s29+$0x470] =	vst v0;
	s29 =	smov.u32 s31  }
0xa6: {  	v0 =	vld [tilespmem:s29+$0x8470]  }
0xa7: {  	v6 =	vld [tilespmem:s29+$0x400]  }
0xa8: {  	v7 =	vld [tilespmem:s29+$0x410]  }
.Ltmp2:
0xa9: {  	v10 =	vld [tilespmem:s29+$0x420];
	(pc) =	sbr.rel @p0 .LBB2_6-.Ltmp2, $4  }
0xaa: {  	v9 =	vld [tilespmem:s29+$0x430]  }
0xab: {  	v8 =	vld [tilespmem:s29+$0x440]  }
0xac: {  	v12 =	vsub.f32 v6, v12;
	v6 =	vld [tilespmem:s29+$0x450]  }
0xad: {  	s30 =	sadd.s32 $0x200, s30;
	v11 =	vsub.f32 v7, v11;
	v7 =	vld [tilespmem:s29+$0x460]  }
0xae: {  	[tilespmem:s29+$0x400] =	vst v12;
	v5 =	vsub.f32 v10, v5;
	v10 =	vld [tilespmem:s29+$0x470]  }
0xaf: {  	[tilespmem:s29+$0x410] =	vst v11;
	v4 =	vsub.f32 v9, v4  }
0xb0: {  	[tilespmem:s29+$0x420] =	vst v5;
	v3 =	vsub.f32 v8, v3  }
0xb1: {  	[tilespmem:s29+$0x430] =	vst v4;
	v2 =	vsub.f32 v6, v2  }
0xb2: {  	[tilespmem:s29+$0x440] =	vst v3;
	v1 =	vsub.f32 v7, v1  }
0xb3: {  	[tilespmem:s29+$0x450] =	vst v2;
	v0 =	vsub.f32 v10, v0  }
0xb4: {  	[tilespmem:s29+$0x460] =	vst v1  }
0xb5: {  	[tilespmem:s29+$0x470] =	vst v0;
	s29 =	simm.s32 $0x0  }
0xb6: {  	[hbm4b:s8+s29] =	stream.linear.scatter [tilespmem:s14], [sflag:$0x3], $0x4000, $0x38;
	[tilespmem:$0x10400] =	vst v63  }
0xb7: {  	_ =	swait.ge [sflag:s23], $0x4000  }
0xb8: {  	[sflag:s23] =	ssyncset.done $0x0  }
0xb9: {  	[sflag:s23] =	ssyncadd.s32 $0xFFFFC000  }
0xba: {  	_ =	swait.ge [sflag:s23], $0x4000  }
0xbb: {  	[sflag:s23] =	ssyncset.done $0x0  }
0xbc: {  	s29 =	simm.s32 $0x0;
	[sflag:s23] =	ssyncadd.s32 $0xFFFFC000  }
0xbd: {  	v7 =	vld [tilespmem:s29+$0xC400]  }
0xbe: {  	v11 =	vld [tilespmem:s29+$0xC410]  }
0xbf: {  	v5 =	vld [tilespmem:s29+$0xC420]  }
0xc0: {  	v4 =	vld [tilespmem:s29+$0xC430]  }
0xc1: {  	v3 =	vld [tilespmem:s29+$0xC440]  }
0xc2: {  	v2 =	vld [tilespmem:s29+$0xC450]  }
0xc3: {  	v1 =	vld [tilespmem:s29+$0xC460]  }
0xc4: {  	v0 =	vld [tilespmem:s29+$0xC470]  }
0xc5: {  	v12 =	vld [tilespmem:s29+$0x4400]  }
0xc6: {  	v13 =	vld [tilespmem:s29+$0x4410]  }
0xc7: {  	v10 =	vld [tilespmem:s29+$0x4420]  }
0xc8: {  	v9 =	vld [tilespmem:s29+$0x4430]  }
0xc9: {  	v8 =	vld [tilespmem:s29+$0x4440]  }
0xca: {  	v6 =	vld [tilespmem:s29+$0x4450];
	v12 =	vsub.f32 v12, v7  }
0xcb: {  	s30 =	simm.s32 $0x200;
	v11 =	vsub.f32 v13, v11;
	v7 =	vld [tilespmem:s29+$0x4460]  }
.LBB2_8:
0xcc: {  	s31 =	sshra.s32 s30, $0x2;
	p0 =	sne.s32 s30, $0xFE00;
	[tilespmem:s29+$0x4400] =	vst v12;
	v5 =	vsub.f32 v10, v5;
	v10 =	vld [tilespmem:s29+$0x4470]  }
0xcd: {  	v12 =	vld [tilespmem:s31+$0xC400];
	[tilespmem:s29+$0x4410] =	vst v11;
	v4 =	vsub.f32 v9, v4  }
0xce: {  	v11 =	vld [tilespmem:s31+$0xC410];
	[tilespmem:s29+$0x4420] =	vst v5;
	v3 =	vsub.f32 v8, v3  }
0xcf: {  	v5 =	vld [tilespmem:s31+$0xC420];
	[tilespmem:s29+$0x4430] =	vst v4;
	v2 =	vsub.f32 v6, v2  }
0xd0: {  	v4 =	vld [tilespmem:s31+$0xC430];
	[tilespmem:s29+$0x4440] =	vst v3;
	v1 =	vsub.f32 v7, v1  }
0xd1: {  	v3 =	vld [tilespmem:s31+$0xC440];
	[tilespmem:s29+$0x4450] =	vst v2;
	v0 =	vsub.f32 v10, v0  }
0xd2: {  	v2 =	vld [tilespmem:s31+$0xC450];
	[tilespmem:s29+$0x4460] =	vst v1  }
0xd3: {  	v1 =	vld [tilespmem:s31+$0xC460];
	[tilespmem:s29+$0x4470] =	vst v0;
	s29 =	smov.u32 s31  }
0xd4: {  	v0 =	vld [tilespmem:s29+$0xC470]  }
0xd5: {  	v6 =	vld [tilespmem:s29+$0x4400]  }
0xd6: {  	v7 =	vld [tilespmem:s29+$0x4410]  }
.Ltmp3:
0xd7: {  	v10 =	vld [tilespmem:s29+$0x4420];
	(pc) =	sbr.rel @p0 .LBB2_8-.Ltmp3, $4  }
0xd8: {  	v9 =	vld [tilespmem:s29+$0x4430]  }
0xd9: {  	v8 =	vld [tilespmem:s29+$0x4440]  }
0xda: {  	v12 =	vsub.f32 v6, v12;
	v6 =	vld [tilespmem:s29+$0x4450]  }
0xdb: {  	s30 =	sadd.s32 $0x200, s30;
	v11 =	vsub.f32 v7, v11;
	v7 =	vld [tilespmem:s29+$0x4460]  }
0xdc: {  	[tilespmem:s29+$0x4400] =	vst v12;
	v5 =	vsub.f32 v10, v5;
	v63 =	vld [tilespmem:s29+$0x4470]  }
0xdd: {  	[tilespmem:s29+$0x4410] =	vst v11;
	v4 =	vsub.f32 v9, v4  }
0xde: {  	[tilespmem:s29+$0x4420] =	vst v5;
	v3 =	vsub.f32 v8, v3  }
0xdf: {  	[tilespmem:s29+$0x4430] =	vst v4;
	v2 =	vsub.f32 v6, v2  }
0xe0: {  	[tilespmem:s29+$0x4440] =	vst v3;
	v1 =	vsub.f32 v7, v1  }
0xe1: {  	[tilespmem:s29+$0x4450] =	vst v2;
	v0 =	vsub.f32 v63, v0  }
0xe2: {  	[tilespmem:s29+$0x4460] =	vst v1  }
0xe3: {  	s28 =	sadd.s32 $0x1, s28;
	[tilespmem:s29+$0x4470] =	vst v0  }
0xe4: {  	[hbm4b:s9+s3] =	stream.linear.scatter [tilespmem:s16], [sflag:$0x4], $0x4000, $0x38;
	[tilespmem:$0x10400] =	vst v63  }
0xe5: {  	p0 =	sne.s32 s28, s10;
	_ =	swait.ge [sflag:s20], $0x4000  }
.Ltmp4:
0xe6: {  	[sflag:s20] =	ssyncset.done $0x0;
	(pc) =	sbr.rel @p0 .LBB2_1-.Ltmp4, $4  }
0xe7: {  	[sflag:s20] =	ssyncadd.s32 $0xFFFFC000  }
0xe8: {  	_ =	swait.ge [sflag:s24], $0x4000  }
0xe9: {  	[sflag:s24] =	ssyncset.done $0x0  }
0xea: {  	[sflag:s24] =	ssyncadd.s32 $0xFFFFC000  }
0xeb: {  	_ =	sfence.sel $0x180000  }
0xec: {  	[bflag:$0x0] =	sbarrier.arrive $0xFFFF  }
0xed: {  	p0 =	sne.s32 s2, $0x0;
	_ =	strace $0x90000047  }
0xee: {  	s0 =	sadd.s32 @!p0 $0x100000, s0;
	[bflag:$0x2] =	sbarrier.arrive $0xFFFF  }
0xef: {  	[sflag:s0] =	ssyncadd.tile.s32 @!p0 $0x1;
	_ =	shalt  }
.Lfunc_end2:
_tile_overlayer_lowered:
.L_overlay_start_2:
0xf0: {  	(tag) =	ssettag $0x2  }
0xf1: {  	s0 =	rddreg [dreg:$0x0];
	s2 =	stileid.u32  }
0xf2: {  	s1 =	rddreg [dreg:$0x1];
	p0 =	sne.s32 s2, $0x0  }
0xf3: {  	s3 =	rddreg [dreg:$0x2];
	[bflag:$0x3] =	sbarrier.arrive $0xFFFF;
	s2 =	simm.s32 @!p0 $0x1C05  }
0xf4: {  	[timem:s3], [sflag:s2] =	dma.local @!p0 [hbm:s0], s1  }
0xf5: {  	s0 =	simm.s32 @!p0 $0x5  }
0xf6: {  	_ =	swait.ge @!p0 [sflag:s0], s1  }
0xf7: {  	s1 =	ssub.s32 @!p0 $0x0, s1;
	[sflag:s0] =	ssyncset.done @!p0 $0x0  }
0xf8: {  	[sflag:s0] =	ssyncadd.s32 @!p0 s1  }
0xf9: {  	[bflag:$0x3] =	sbarrier.arrive $0xFFFF  }
0xfa: {  	_ =	shalt  }

</sc_bundles>
